<compile_context>
chip_gen: v7x
topology: tpu7x:2x2x1
jax: 0.10.2.dev20260603
libtpu: 0.0.44.dev20260713+nightly
codegen_flags: <defaults>
</compile_context>

<pallas_src>
import jax
import jax.numpy as jnp
from jax import lax
from jax.experimental import pallas as pl
from jax.experimental.pallas import tpu as pltpu
from jax.experimental.pallas import tpu_sc as plsc

M = 32 * 1024 * 1024
B = 1048576
NC = 2
NT = 16 * NC
C = B // NT
W = 8192
NWIN = C // W
VSTEPS = W // 16
L = 16
PAD = 8192
S = 128
NS = W // S
FK = 16

_MESH = plsc.VectorSubcoreMesh(core_axis_name="c", subcore_axis_name="s")


def _wid():
    return lax.axis_index("s") * NC + lax.axis_index("c")


def _fire_drain(mk):
    for b in range(0, NS, FK):
        ds_ = [mk(j) for j in range(b, min(b + FK, NS))]
        for d in ds_:
            d.start()
        for d in ds_:
            d.wait()


def _scatter_body(sa_hbm, t_hbm, b_sa, b_idx, b_k, sem):
    base = _wid() * C
    iota = lax.iota(jnp.int32, L)

    def fill(t, _):
        k = iota + t * L
        row = t // (S // L)
        col = (t % (S // L)) * L
        b_idx[row, pl.ds(col, L)] = ((k + base) * 1103515245) & (M - 1)
        b_k[pl.ds(t * L, L)] = k
        return 0

    lax.fori_loop(0, VSTEPS, fill, 0)

    def win(w, _):
        off = base + w * W
        pltpu.sync_copy(sa_hbm.at[pl.ds(off, W)], b_sa.at[pl.ds(0, W)])
        _fire_drain(lambda j: pltpu.make_async_copy(
            b_k.at[pl.ds(j * S, S)], t_hbm.at[b_idx.at[j]], sem))
        return 0

    lax.fori_loop(0, NWIN, win, 0)


def _read_body(sa_hbm, sv_hbm, ra_hbm, t_hbm, out_hbm,
               b_ra, b_g, b_gc, b_back, b_sv, b_out, sem):
    base = _wid() * C

    def win(w, _):
        off = base + w * W
        pltpu.sync_copy(ra_hbm.at[pl.ds(off, W)], b_ra)
        _fire_drain(lambda j: pltpu.make_async_copy(
            t_hbm.at[b_ra.at[pl.ds(j * S, S)]],
            b_g.at[pl.ds(j * S, S)], sem))

        def clamp_step(t, _):
            sl = pl.ds(t * L, L)
            b_gc[sl] = jnp.minimum(jnp.maximum(b_g[sl], 0), B - 1)
            return 0

        lax.fori_loop(0, VSTEPS, clamp_step, 0)
        _fire_drain(lambda j: pltpu.make_async_copy(
            sa_hbm.at[b_gc.at[pl.ds(j * S, S)]],
            b_back.at[pl.ds(j * S, S)], sem))
        _fire_drain(lambda j: pltpu.make_async_copy(
            sv_hbm.at[b_gc.at[pl.ds(j * S, S)]],
            b_sv.at[pl.ds(j * S, S)], sem))

        def sel_step(t, _):
            sl = pl.ds(t * L, L)
            valid = (b_g[sl] == b_gc[sl]) & (b_back[sl] == b_ra[sl])
            b_out[sl] = jnp.where(valid, b_sv[sl], jnp.float32(0.0))
            return 0

        lax.fori_loop(0, VSTEPS, sel_step, 0)
        pltpu.sync_copy(b_out, out_hbm.at[pl.ds(off, W)])
        return 0

    lax.fori_loop(0, NWIN, win, 0)


_IDX = lambda n=W: pltpu.VMEM((n,), jnp.int32)
_VAL = lambda: pltpu.VMEM((W,), jnp.float32)

_k_scatter = pl.kernel(
    _scatter_body,
    out_type=jax.ShapeDtypeStruct((M + PAD,), jnp.int32),
    mesh=_MESH,
    scratch_types=[_IDX(W + L), pltpu.VMEM((NS, S), jnp.int32), _IDX(),
                   pltpu.SemaphoreType.DMA],
)

_k_read = pl.kernel(
    _read_body,
    out_type=jax.ShapeDtypeStruct((B,), jnp.float32),
    mesh=_MESH,
    scratch_types=[_IDX(), _IDX(), _IDX(), _IDX(), _VAL(), _VAL(),
                   pltpu.SemaphoreType.DMA],
)


def kernel(ram, write_addr, write_val, read_addr):
    del ram
    sa, sv = lax.sort((write_addr, write_val), num_keys=1, is_stable=False)
    t_arr = _k_scatter(sa)
    return lax.slice(t_arr, (0,), (B,)).astype(jnp.float32)

# --- scband reference (transcript-rebuilt; emitter-appended) ---
"""Pipeline reference for scband-digital-ram-32512902431186 (READ-ONLY COPY).

The authoritative reference and input builder live on the scoring server;
editing this copy changes nothing except your own understanding.
"""

import jax, jax.numpy as jnp
import numpy as np

M = 32 * 1024 * 1024  # size_mb=32 -> bytes/cells in RAM
B = 1048576           # number of batched write/read ops


def setup_inputs(seed: int = 0) -> dict:
    key = jax.random.key(seed)
    k1, k2, k3 = jax.random.split(key, 3)
    ram = jnp.zeros((M,), dtype=jnp.float32)  # uint8 buffer modeled as float32 cells
    write_addr = jax.random.randint(k1, (B,), 0, M, dtype=jnp.int32)
    write_val = jax.random.normal(k2, (B,), dtype=jnp.float32)
    read_addr = jax.random.randint(k3, (B,), 0, M, dtype=jnp.int32)
    return {"ram": ram, "write_addr": write_addr, "write_val": write_val, "read_addr": read_addr}


def reference(ram, write_addr, write_val, read_addr):
    # Batched DigitalRAM.write(addr, value): direct scatter-overwrite into the RAM buffer
    # (original: self.ram[addr] = value & 0xFF, done one addr at a time; here vectorized).
    ram2 = ram.at[write_addr].set(write_val)
    # Batched DigitalRAM.read(addr): direct gather from the RAM buffer
    # (original: return self.ram[addr].item()).
    out = jnp.take(ram2, read_addr, axis=0)
    return out

if __name__ == "__main__":
    import jax
    _d = setup_inputs()
    print(jax.jit(kernel)(*tuple(_d.values())))

</pallas_src>

<mosaic_0001>
#map = affine_map<(d0, d1) -> (0)>
module attributes {stable_mosaic.version = 14 : i64} {
  func.func @_scatter_body(%arg0: i32, %arg1: i32, %arg2: memref<1048576xi32, #tpu.memory_space<hbm>>, %arg3: memref<33562624xi32, #tpu.memory_space<hbm>>, %arg4: memref<8208xi32, #tpu.memory_space<vmem>>, %arg5: memref<64x128xi32, #tpu.memory_space<vmem>>, %arg6: memref<8192xi32, #tpu.memory_space<vmem>>, %arg7: memref<!tpu.dma_semaphore, #tpu.memory_space<semaphore_mem>>) attributes {dimension_semantics = [#tpu.dimension_semantics<core_parallel>, #tpu.dimension_semantics<subcore_parallel>], iteration_bounds = array<i64: 2, 16>, scalar_prefetch = 0 : i64, scratch_operands = 4 : i64, tpu.core_type = #tpu.core_type<sc_vector_subcore>, window_params = [{transform_indices = #map}, {transform_indices = #map}]} {
    %mul3A = arith.constant 2 : i32
    %mul3A_0 = arith.muli %arg1, %mul3A : i32
    %add3A = arith.addi %mul3A_0, %arg0 : i32
    %mul3A_1 = arith.constant 32768 : i32
    %mul3A_2 = arith.muli %add3A, %mul3A_1 : i32
    %iota3A = tpu.iota {dimensions = array<i32: 0>} : vector<16xi32>
    %scan3A = arith.constant 0 : i32
    %scan3A_3 = arith.constant 0 : i32
    %scan3A_4 = arith.constant 512 : i32
    %scan3A_5 = arith.addi %scan3A_3, %scan3A_4 : i32
    %scan3A_6 = arith.constant 1 : i32
    %scan3A_7 = scf.for %scan3A_16 = %scan3A_3 to %scan3A_5 step %scan3A_6 iter_args(%scan3A_17 = %scan3A) -> (i32)  : i32 {
      %mul3A_18 = arith.constant 16 : i32
      %mul3A_19 = arith.muli %scan3A_16, %mul3A_18 : i32
      %add3A_20 = vector.broadcast %mul3A_19 : i32 to vector<16xi32>
      %add3A_21 = arith.addi %iota3A, %add3A_20 : vector<16xi32>
      %jit3A = arith.constant 8 : i32
      %div3A = arith.divsi %scan3A_16, %jit3A : i32
      %sign3A = arith.constant 0 : i32
      %sign3A_22 = arith.cmpi sgt, %scan3A_16, %sign3A : i32
      %sign3A_23 = arith.extui %sign3A_22 : i1 to i32
      %sign3A_24 = arith.constant 0 : i32
      %sign3A_25 = arith.cmpi slt, %scan3A_16, %sign3A_24 : i32
      %sign3A_26 = arith.extui %sign3A_25 : i1 to i32
      %sign3A_27 = arith.subi %sign3A_23, %sign3A_26 : i32
      %sign3A_28 = arith.constant 0 : i32
      %sign3A_29 = arith.cmpi sgt, %jit3A, %sign3A_28 : i32
      %sign3A_30 = arith.extui %sign3A_29 : i1 to i32
      %sign3A_31 = arith.constant 0 : i32
      %sign3A_32 = arith.cmpi slt, %jit3A, %sign3A_31 : i32
      %sign3A_33 = arith.extui %sign3A_32 : i1 to i32
      %sign3A_34 = arith.subi %sign3A_30, %sign3A_33 : i32
      %ne3A = arith.cmpi ne, %sign3A_27, %sign3A_34 : i32
      %rem3A = arith.remsi %scan3A_16, %jit3A : i32
      %ne3A_35 = arith.constant 0 : i32
      %ne3A_36 = arith.cmpi ne, %rem3A, %ne3A_35 : i32
      %and3A = arith.andi %ne3A, %ne3A_36 : i1
      %sub3A = arith.constant 1 : i32
      %sub3A_37 = arith.subi %div3A, %sub3A : i32
      %select_n3A = arith.select %and3A, %sub3A_37, %div3A : i32
      %jit3A_38 = arith.constant 8 : i32
      %eq3A = arith.constant 0 : i32
      %eq3A_39 = arith.cmpi eq, %jit3A_38, %eq3A : i32
      %jit3A_40 = arith.constant 1 : i32
      %select_n3A_41 = arith.select %eq3A_39, %jit3A_40, %jit3A_38 : i32
      %rem3A_42 = arith.remsi %scan3A_16, %select_n3A_41 : i32
      %ne3A_43 = arith.constant 0 : i32
      %ne3A_44 = arith.cmpi ne, %rem3A_42, %ne3A_43 : i32
      %lt3A = arith.constant 0 : i32
      %lt3A_45 = arith.cmpi slt, %rem3A_42, %lt3A : i32
      %lt3A_46 = arith.constant 0 : i32
      %lt3A_47 = arith.cmpi slt, %select_n3A_41, %lt3A_46 : i32
      %ne3A_48 = arith.xori %lt3A_45, %lt3A_47 : i1
      %and3A_49 = arith.andi %ne3A_48, %ne3A_44 : i1
      %add3A_50 = arith.addi %rem3A_42, %select_n3A_41 : i32
      %select_n3A_51 = arith.select %and3A_49, %add3A_50, %rem3A_42 : i32
      %mul3A_52 = arith.constant 16 : i32
      %mul3A_53 = arith.muli %select_n3A_51, %mul3A_52 : i32
      %add3A_54 = vector.broadcast %mul3A_2 : i32 to vector<16xi32>
      %add3A_55 = arith.addi %add3A_21, %add3A_54 : vector<16xi32>
      %mul3A_56 = arith.constant 1103515245 : i32
      %mul3A_57 = vector.broadcast %mul3A_56 : i32 to vector<16xi32>
      %mul3A_58 = arith.muli %add3A_55, %mul3A_57 : vector<16xi32>
      %and3A_59 = arith.constant 33554431 : i32
      %and3A_60 = vector.broadcast %and3A_59 : i32 to vector<16xi32>
      %and3A_61 = arith.andi %mul3A_58, %and3A_60 : vector<16xi32>
      %swap3A = arith.index_cast %select_n3A : i32 to index
      %swap3A_62 = arith.index_cast %mul3A_53 : i32 to index
      %swap3A_63 = tpu.vector_load %arg5[%swap3A, %swap3A_62] {strides = array<i32>} : memref<64x128xi32, #tpu.memory_space<vmem>>, vector<1x16xi32>,
      %swap3A_64 = vector.shape_cast %swap3A_63 : vector<1x16xi32> to vector<16xi32>
      %swap3A_65 = vector.shape_cast %and3A_61 : vector<16xi32> to vector<1x16xi32>
      tpu.vector_store %arg5[%swap3A, %swap3A_62], %swap3A_65 {strides = array<i32>} : memref<64x128xi32, #tpu.memory_space<vmem>>, vector<1x16xi32>,
      %mul3A_66 = arith.constant 16 : i32
      %mul3A_67 = arith.muli %scan3A_16, %mul3A_66 : i32
      %swap3A_68 = arith.index_cast %mul3A_67 : i32 to index
      %swap3A_69 = tpu.vector_load %arg6[%swap3A_68] {strides = array<i32>} : memref<8192xi32, #tpu.memory_space<vmem>>, vector<16xi32>,
      %swap3A_70 = vector.shape_cast %swap3A_69 : vector<16xi32> to vector<16xi32>
      %swap3A_71 = vector.shape_cast %add3A_21 : vector<16xi32> to vector<16xi32>
      tpu.vector_store %arg6[%swap3A_68], %swap3A_71 {strides = array<i32>} : memref<8192xi32, #tpu.memory_space<vmem>>, vector<16xi32>,
      %scan3A_72 = arith.constant 0 : i32
      scf.yield %scan3A_72 : i32
    }
    %scan3A_8 = arith.constant 512 : i32
    %scan3A_9 = arith.constant 0 : i32
    %scan3A_10 = arith.constant 0 : i32
    %scan3A_11 = arith.constant 4 : i32
    %scan3A_12 = arith.addi %scan3A_10, %scan3A_11 : i32
    %scan3A_13 = arith.constant 1 : i32
    %scan3A_14 = scf.for %scan3A_16 = %scan3A_10 to %scan3A_12 step %scan3A_13 iter_args(%scan3A_17 = %scan3A_9) -> (i32)  : i32 {
      %mul3A_18 = arith.constant 8192 : i32
      %mul3A_19 = arith.muli %scan3A_16, %mul3A_18 : i32
      %add3A_20 = arith.addi %mul3A_2, %mul3A_19 : i32
      "tpu.region"() ({
        %run_scoped3A = tpu.sem_alloc : memref<!tpu.dma_semaphore, #tpu.memory_space<semaphore_mem>>
        %dma_start3A_1044 = arith.constant 0 : i32
        %dma_start3A_1045 = tpu.memref_slice %arg4[%dma_start3A_1044] : memref<8208xi32, #tpu.memory_space<vmem>> -> memref<8192xi32, #tpu.memory_space<vmem>>
        %dma_start3A_1046 = tpu.memref_slice %arg2[%add3A_20] : memref<1048576xi32, #tpu.memory_space<hbm>> -> memref<8192xi32, #tpu.memory_space<hbm>>
        %dma_start3A_1047 = arith.constant 0 : i32
        %dma_start3A_1048 = tpu.memref_slice %arg4[%dma_start3A_1047] : memref<8208xi32, #tpu.memory_space<vmem>> -> memref<8192xi32, #tpu.memory_space<vmem>>
        %dma_start3A_1049 = tpu.memref_slice %arg2[%add3A_20] : memref<1048576xi32, #tpu.memory_space<hbm>> -> memref<8192xi32, #tpu.memory_space<hbm>>
        tpu.enqueue_dma source(%dma_start3A_1049 : memref<8192xi32, #tpu.memory_space<hbm>>) target(%dma_start3A_1048 : memref<8192xi32, #tpu.memory_space<vmem>>) target_semaphore(%run_scoped3A : memref<!tpu.dma_semaphore, #tpu.memory_space<semaphore_mem>>)
        %dma_wait3A_1050 = arith.constant 0 : i32
        %dma_wait3A_1051 = tpu.memref_slice %arg4[%dma_wait3A_1050] : memref<8208xi32, #tpu.memory_space<vmem>> -> memref<8192xi32, #tpu.memory_space<vmem>>
        %dma_wait3A_1052 = tpu.memref_slice %arg2[%add3A_20] : memref<1048576xi32, #tpu.memory_space<hbm>> -> memref<8192xi32, #tpu.memory_space<hbm>>
        %dma_wait3A_1053 = arith.constant 0 : i32
        %dma_wait3A_1054 = tpu.memref_slice %arg4[%dma_wait3A_1053] : memref<8208xi32, #tpu.memory_space<vmem>> -> memref<8192xi32, #tpu.memory_space<vmem>>
        %dma_wait3A_1055 = tpu.memref_slice %arg2[%add3A_20] : memref<1048576xi32, #tpu.memory_space<hbm>> -> memref<8192xi32, #tpu.memory_space<hbm>>
        tpu.wait_dma2 semaphore(%run_scoped3A : memref<!tpu.dma_semaphore, #tpu.memory_space<semaphore_mem>>) src(%dma_wait3A_1055 : memref<8192xi32, #tpu.memory_space<hbm>>) dst(%dma_wait3A_1054 : memref<8192xi32, #tpu.memory_space<vmem>>)
        tpu.yield
      }) : () -> ()
      %dma_start3A = arith.constant 0 : i32
      %dma_start3A_21 = arith.constant 0 : i32
      %dma_start3A_22 = tpu.memref_slice %arg6[%dma_start3A_21] : memref<8192xi32, #tpu.memory_space<vmem>> -> memref<128xi32, #tpu.memory_space<vmem>>
      %dma_start3A_23 = arith.constant 0 : i32
      %dma_start3A_24 = tpu.memref_slice %arg5[%dma_start3A, %dma_start3A_23] : memref<64x128xi32, #tpu.memory_space<vmem>> -> memref<1x128xi32, #tpu.memory_space<vmem>>
      %dma_start3A_25 = tpu.memref_squeeze %dma_start3A_24 : memref<1x128xi32, #tpu.memory_space<vmem>> -> memref<128xi32, #tpu.memory_space<vmem>>
      %dma_start3A_26 = arith.constant 0 : i32
      %dma_start3A_27 = tpu.memref_slice %arg3[%dma_start3A_26] : memref<33562624xi32, #tpu.memory_space<hbm>> -> memref<33562624xi32, #tpu.memory_space<hbm>>
      tpu.enqueue_indirect_dma source(%dma_start3A_22 : memref<128xi32, #tpu.memory_space<vmem>>) target(%dma_start3A_27 : memref<33562624xi32, #tpu.memory_space<hbm>>) offsets(%dma_start3A_25 : memref<128xi32, #tpu.memory_space<vmem>>) semaphore(%arg7 : memref<!tpu.dma_semaphore, #tpu.memory_space<semaphore_mem>>)
      %dma_start3A_28 = arith.constant 1 : i32
      %dma_start3A_29 = arith.constant 128 : i32
      %dma_start3A_30 = tpu.memref_slice %arg6[%dma_start3A_29] : memref<8192xi32, #tpu.memory_space<vmem>> -> memref<128xi32, #tpu.memory_space<vmem>>
      %dma_start3A_31 = arith.constant 0 : i32
      %dma_start3A_32 = tpu.memref_slice %arg5[%dma_start3A_28, %dma_start3A_31] : memref<64x128xi32, #tpu.memory_space<vmem>> -> memref<1x128xi32, #tpu.memory_space<vmem>>
      %dma_start3A_33 = tpu.memref_squeeze %dma_start3A_32 : memref<1x128xi32, #tpu.memory_space<vmem>> -> memref<128xi32, #tpu.memory_space<vmem>>
      %dma_start3A_34 = arith.constant 0 : i32
      %dma_start3A_35 = tpu.memref_slice %arg3[%dma_start3A_34] : memref<33562624xi32, #tpu.memory_space<hbm>> -> memref<33562624xi32, #tpu.memory_space<hbm>>
      tpu.enqueue_indirect_dma source(%dma_start3A_30 : memref<128xi32, #tpu.memory_space<vmem>>) target(%dma_start3A_35 : memref<33562624xi32, #tpu.memory_space<hbm>>) offsets(%dma_start3A_33 : memref<128xi32, #tpu.memory_space<vmem>>) semaphore(%arg7 : memref<!tpu.dma_semaphore, #tpu.memory_space<semaphore_mem>>)
      %dma_start3A_36 = arith.constant 2 : i32
      %dma_start3A_37 = arith.constant 256 : i32
      %dma_start3A_38 = tpu.memref_slice %arg6[%dma_start3A_37] : memref<8192xi32, #tpu.memory_space<vmem>> -> memref<128xi32, #tpu.memory_space<vmem>>
      %dma_start3A_39 = arith.constant 0 : i32
      %dma_start3A_40 = tpu.memref_slice %arg5[%dma_start3A_36, %dma_start3A_39] : memref<64x128xi32, #tpu.memory_space<vmem>> -> memref<1x128xi32, #tpu.memory_space<vmem>>
      %dma_start3A_41 = tpu.memref_squeeze %dma_start3A_40 : memref<1x128xi32, #tpu.memory_space<vmem>> -> memref<128xi32, #tpu.memory_space<vmem>>
      %dma_start3A_42 = arith.constant 0 : i32
      %dma_start3A_43 = tpu.memref_slice %arg3[%dma_start3A_42] : memref<33562624xi32, #tpu.memory_space<hbm>> -> memref<33562624xi32, #tpu.memory_space<hbm>>
      tpu.enqueue_indirect_dma source(%dma_start3A_38 : memref<128xi32, #tpu.memory_space<vmem>>) target(%dma_start3A_43 : memref<33562624xi32, #tpu.memory_space<hbm>>) offsets(%dma_start3A_41 : memref<128xi32, #tpu.memory_space<vmem>>) semaphore(%arg7 : memref<!tpu.dma_semaphore, #tpu.memory_space<semaphore_mem>>)
      %dma_start3A_44 = arith.constant 3 : i32
      %dma_start3A_45 = arith.constant 384 : i32
      %dma_start3A_46 = tpu.memref_slice %arg6[%dma_start3A_45] : memref<8192xi32, #tpu.memory_space<vmem>> -> memref<128xi32, #tpu.memory_space<vmem>>
      %dma_start3A_47 = arith.constant 0 : i32
      %dma_start3A_48 = tpu.memref_slice %arg5[%dma_start3A_44, %dma_start3A_47] : memref<64x128xi32, #tpu.memory_space<vmem>> -> memref<1x128xi32, #tpu.memory_space<vmem>>
      %dma_start3A_49 = tpu.memref_squeeze %dma_start3A_48 : memref<1x128xi32, #tpu.memory_space<vmem>> -> memref<128xi32, #tpu.memory_space<vmem>>
      %dma_start3A_50 = arith.constant 0 : i32
      %dma_start3A_51 = tpu.memref_slice %arg3[%dma_start3A_50] : memref<33562624xi32, #tpu.memory_space<hbm>> -> memref<33562624xi32, #tpu.memory_space<hbm>>
      tpu.enqueue_indirect_dma source(%dma_start3A_46 : memref<128xi32, #tpu.memory_space<vmem>>) target(%dma_start3A_51 : memref<33562624xi32, #tpu.memory_space<hbm>>) offsets(%dma_start3A_49 : memref<128xi32, #tpu.memory_space<vmem>>) semaphore(%arg7 : memref<!tpu.dma_semaphore, #tpu.memory_space<semaphore_mem>>)
      %dma_start3A_52 = arith.constant 4 : i32
      %dma_start3A_53 = arith.constant 512 : i32
      %dma_start3A_54 = tpu.memref_slice %arg6[%dma_start3A_53] : memref<8192xi32, #tpu.memory_space<vmem>> -> memref<128xi32, #tpu.memory_space<vmem>>
      %dma_start3A_55 = arith.constant 0 : i32
      %dma_start3A_56 = tpu.memref_slice %arg5[%dma_start3A_52, %dma_start3A_55] : memref<64x128xi32, #tpu.memory_space<vmem>> -> memref<1x128xi32, #tpu.memory_space<vmem>>
      %dma_start3A_57 = tpu.memref_squeeze %dma_start3A_56 : memref<1x128xi32, #tpu.memory_space<vmem>> -> memref<128xi32, #tpu.memory_space<vmem>>
      %dma_start3A_58 = arith.constant 0 : i32
      %dma_start3A_59 = tpu.memref_slice %arg3[%dma_start3A_58] : memref<33562624xi32, #tpu.memory_space<hbm>> -> memref<33562624xi32, #tpu.memory_space<hbm>>
      tpu.enqueue_indirect_dma source(%dma_start3A_54 : memref<128xi32, #tpu.memory_space<vmem>>) target(%dma_start3A_59 : memref<33562624xi32, #tpu.memory_space<hbm>>) offsets(%dma_start3A_57 : memref<128xi32, #tpu.memory_space<vmem>>) semaphore(%arg7 : memref<!tpu.dma_semaphore, #tpu.memory_space<semaphore_mem>>)
      %dma_start3A_60 = arith.constant 5 : i32
      %dma_start3A_61 = arith.constant 640 : i32
      %dma_start3A_62 = tpu.memref_slice %arg6[%dma_start3A_61] : memref<8192xi32, #tpu.memory_space<vmem>> -> memref<128xi32, #tpu.memory_space<vmem>>
      %dma_start3A_63 = arith.constant 0 : i32
      %dma_start3A_64 = tpu.memref_slice %arg5[%dma_start3A_60, %dma_start3A_63] : memref<64x128xi32, #tpu.memory_space<vmem>> -> memref<1x128xi32, #tpu.memory_space<vmem>>
      %dma_start3A_65 = tpu.memref_squeeze %dma_start3A_64 : memref<1x128xi32, #tpu.memory_space<vmem>> -> memref<128xi32, #tpu.memory_space<vmem>>
      %dma_start3A_66 = arith.constant 0 : i32
      %dma_start3A_67 = tpu.memref_slice %arg3[%dma_start3A_66] : memref<33562624xi32, #tpu.memory_space<hbm>> -> memref<33562624xi32, #tpu.memory_space<hbm>>
      tpu.enqueue_indirect_dma source(%dma_start3A_62 : memref<128xi32, #tpu.memory_space<vmem>>) target(%dma_start3A_67 : memref<33562624xi32, #tpu.memory_space<hbm>>) offsets(%dma_start3A_65 : memref<128xi32, #tpu.memory_space<vmem>>) semaphore(%arg7 : memref<!tpu.dma_semaphore, #tpu.memory_space<semaphore_mem>>)
      %dma_start3A_68 = arith.constant 6 : i32
      %dma_start3A_69 = arith.constant 768 : i32
      %dma_start3A_70 = tpu.memref_slice %arg6[%dma_start3A_69] : memref<8192xi32, #tpu.memory_space<vmem>> -> memref<128xi32, #tpu.memory_space<vmem>>
      %dma_start3A_71 = arith.constant 0 : i32
      %dma_start3A_72 = tpu.memref_slice %arg5[%dma_start3A_68, %dma_start3A_71] : memref<64x128xi32, #tpu.memory_space<vmem>> -> memref<1x128xi32, #tpu.memory_space<vmem>>
      %dma_start3A_73 = tpu.memref_squeeze %dma_start3A_72 : memref<1x128xi32, #tpu.memory_space<vmem>> -> memref<128xi32, #tpu.memory_space<vmem>>
      %dma_start3A_74 = arith.constant 0 : i32
      %dma_start3A_75 = tpu.memref_slice %arg3[%dma_start3A_74] : memref<33562624xi32, #tpu.memory_space<hbm>> -> memref<33562624xi32, #tpu.memory_space<hbm>>
      tpu.enqueue_indirect_dma source(%dma_start3A_70 : memref<128xi32, #tpu.memory_space<vmem>>) target(%dma_start3A_75 : memref<33562624xi32, #tpu.memory_space<hbm>>) offsets(%dma_start3A_73 : memref<128xi32, #tpu.memory_space<vmem>>) semaphore(%arg7 : memref<!tpu.dma_semaphore, #tpu.memory_space<semaphore_mem>>)
      %dma_start3A_76 = arith.constant 7 : i32
      %dma_start3A_77 = arith.constant 896 : i32
      %dma_start3A_78 = tpu.memref_slice %arg6[%dma_start3A_77] : memref<8192xi32, #tpu.memory_space<vmem>> -> memref<128xi32, #tpu.memory_space<vmem>>
      %dma_start3A_79 = arith.constant 0 : i32
      %dma_start3A_80 = tpu.memref_slice %arg5[%dma_start3A_76, %dma_start3A_79] : memref<64x128xi32, #tpu.memory_space<vmem>> -> memref<1x128xi32, #tpu.memory_space<vmem>>
      %dma_start3A_81 = tpu.memref_squeeze %dma_start3A_80 : memref<1x128xi32, #tpu.memory_space<vmem>> -> memref<128xi32, #tpu.memory_space<vmem>>
      %dma_start3A_82 = arith.constant 0 : i32
      %dma_start3A_83 = tpu.memref_slice %arg3[%dma_start3A_82] : memref<33562624xi32, #tpu.memory_space<hbm>> -> memref<33562624xi32, #tpu.memory_space<hbm>>
      tpu.enqueue_indirect_dma source(%dma_start3A_78 : memref<128xi32, #tpu.memory_space<vmem>>) target(%dma_start3A_83 : memref<33562624xi32, #tpu.memory_space<hbm>>) offsets(%dma_start3A_81 : memref<128xi32, #tpu.memory_space<vmem>>) semaphore(%arg7 : memref<!tpu.dma_semaphore, #tpu.memory_space<semaphore_mem>>)
      %dma_start3A_84 = arith.constant 8 : i32
      %dma_start3A_85 = arith.constant 1024 : i32
      %dma_start3A_86 = tpu.memref_slice %arg6[%dma_start3A_85] : memref<8192xi32, #tpu.memory_space<vmem>> -> memref<128xi32, #tpu.memory_space<vmem>>
      %dma_start3A_87 = arith.constant 0 : i32
      %dma_start3A_88 = tpu.memref_slice %arg5[%dma_start3A_84, %dma_start3A_87] : memref<64x128xi32, #tpu.memory_space<vmem>> -> memref<1x128xi32, #tpu.memory_space<vmem>>
      %dma_start3A_89 = tpu.memref_squeeze %dma_start3A_88 : memref<1x128xi32, #tpu.memory_space<vmem>> -> memref<128xi32, #tpu.memory_space<vmem>>
      %dma_start3A_90 = arith.constant 0 : i32
      %dma_start3A_91 = tpu.memref_slice %arg3[%dma_start3A_90] : memref<33562624xi32, #tpu.memory_space<hbm>> -> memref<33562624xi32, #tpu.memory_space<hbm>>
      tpu.enqueue_indirect_dma source(%dma_start3A_86 : memref<128xi32, #tpu.memory_space<vmem>>) target(%dma_start3A_91 : memref<33562624xi32, #tpu.memory_space<hbm>>) offsets(%dma_start3A_89 : memref<128xi32, #tpu.memory_space<vmem>>) semaphore(%arg7 : memref<!tpu.dma_semaphore, #tpu.memory_space<semaphore_mem>>)
      %dma_start3A_92 = arith.constant 9 : i32
      %dma_start3A_93 = arith.constant 1152 : i32
      %dma_start3A_94 = tpu.memref_slice %arg6[%dma_start3A_93] : memref<8192xi32, #tpu.memory_space<vmem>> -> memref<128xi32, #tpu.memory_space<vmem>>
      %dma_start3A_95 = arith.constant 0 : i32
      %dma_start3A_96 = tpu.memref_slice %arg5[%dma_start3A_92, %dma_start3A_95] : memref<64x128xi32, #tpu.memory_space<vmem>> -> memref<1x128xi32, #tpu.memory_space<vmem>>
      %dma_start3A_97 = tpu.memref_squeeze %dma_start3A_96 : memref<1x128xi32, #tpu.memory_space<vmem>> -> memref<128xi32, #tpu.memory_space<vmem>>
      %dma_start3A_98 = arith.constant 0 : i32
      %dma_start3A_99 = tpu.memref_slice %arg3[%dma_start3A_98] : memref<33562624xi32, #tpu.memory_space<hbm>> -> memref<33562624xi32, #tpu.memory_space<hbm>>
      tpu.enqueue_indirect_dma source(%dma_start3A_94 : memref<128xi32, #tpu.memory_space<vmem>>) target(%dma_start3A_99 : memref<33562624xi32, #tpu.memory_space<hbm>>) offsets(%dma_start3A_97 : memref<128xi32, #tpu.memory_space<vmem>>) semaphore(%arg7 : memref<!tpu.dma_semaphore, #tpu.memory_space<semaphore_mem>>)
      %dma_start3A_100 = arith.constant 10 : i32
      %dma_start3A_101 = arith.constant 1280 : i32
      %dma_start3A_102 = tpu.memref_slice %arg6[%dma_start3A_101] : memref<8192xi32, #tpu.memory_space<vmem>> -> memref<128xi32, #tpu.memory_space<vmem>>
      %dma_start3A_103 = arith.constant 0 : i32
      %dma_start3A_104 = tpu.memref_slice %arg5[%dma_start3A_100, %dma_start3A_103] : memref<64x128xi32, #tpu.memory_space<vmem>> -> memref<1x128xi32, #tpu.memory_space<vmem>>
      %dma_start3A_105 = tpu.memref_squeeze %dma_start3A_104 : memref<1x128xi32, #tpu.memory_space<vmem>> -> memref<128xi32, #tpu.memory_space<vmem>>
      %dma_start3A_106 = arith.constant 0 : i32
      %dma_start3A_107 = tpu.memref_slice %arg3[%dma_start3A_106] : memref<33562624xi32, #tpu.memory_space<hbm>> -> memref<33562624xi32, #tpu.memory_space<hbm>>
      tpu.enqueue_indirect_dma source(%dma_start3A_102 : memref<128xi32, #tpu.memory_space<vmem>>) target(%dma_start3A_107 : memref<33562624xi32, #tpu.memory_space<hbm>>) offsets(%dma_start3A_105 : memref<128xi32, #tpu.memory_space<vmem>>) semaphore(%arg7 : memref<!tpu.dma_semaphore, #tpu.memory_space<semaphore_mem>>)
      %dma_start3A_108 = arith.constant 11 : i32
      %dma_start3A_109 = arith.constant 1408 : i32
      %dma_start3A_110 = tpu.memref_slice %arg6[%dma_start3A_109] : memref<8192xi32, #tpu.memory_space<vmem>> -> memref<128xi32, #tpu.memory_space<vmem>>
      %dma_start3A_111 = arith.constant 0 : i32
      %dma_start3A_112 = tpu.memref_slice %arg5[%dma_start3A_108, %dma_start3A_111] : memref<64x128xi32, #tpu.memory_space<vmem>> -> memref<1x128xi32, #tpu.memory_space<vmem>>
      %dma_start3A_113 = tpu.memref_squeeze %dma_start3A_112 : memref<1x128xi32, #tpu.memory_space<vmem>> -> memref<128xi32, #tpu.memory_space<vmem>>
      %dma_start3A_114 = arith.constant 0 : i32
      %dma_start3A_115 = tpu.memref_slice %arg3[%dma_start3A_114] : memref<33562624xi32, #tpu.memory_space<hbm>> -> memref<33562624xi32, #tpu.memory_space<hbm>>
      tpu.enqueue_indirect_dma source(%dma_start3A_110 : memref<128xi32, #tpu.memory_space<vmem>>) target(%dma_start3A_115 : memref<33562624xi32, #tpu.memory_space<hbm>>) offsets(%dma_start3A_113 : memref<128xi32, #tpu.memory_space<vmem>>) semaphore(%arg7 : memref<!tpu.dma_semaphore, #tpu.memory_space<semaphore_mem>>)
      %dma_start3A_116 = arith.constant 12 : i32
      %dma_start3A_117 = arith.constant 1536 : i32
      %dma_start3A_118 = tpu.memref_slice %arg6[%dma_start3A_117] : memref<8192xi32, #tpu.memory_space<vmem>> -> memref<128xi32, #tpu.memory_space<vmem>>
      %dma_start3A_119 = arith.constant 0 : i32
      %dma_start3A_120 = tpu.memref_slice %arg5[%dma_start3A_116, %dma_start3A_119] : memref<64x128xi32, #tpu.memory_space<vmem>> -> memref<1x128xi32, #tpu.memory_space<vmem>>
      %dma_start3A_121 = tpu.memref_squeeze %dma_start3A_120 : memref<1x128xi32, #tpu.memory_space<vmem>> -> memref<128xi32, #tpu.memory_space<vmem>>
      %dma_start3A_122 = arith.constant 0 : i32
      %dma_start3A_123 = tpu.memref_slice %arg3[%dma_start3A_122] : memref<33562624xi32, #tpu.memory_space<hbm>> -> memref<33562624xi32, #tpu.memory_space<hbm>>
      tpu.enqueue_indirect_dma source(%dma_start3A_118 : memref<128xi32, #tpu.memory_space<vmem>>) target(%dma_start3A_123 : memref<33562624xi32, #tpu.memory_space<hbm>>) offsets(%dma_start3A_121 : memref<128xi32, #tpu.memory_space<vmem>>) semaphore(%arg7 : memref<!tpu.dma_semaphore, #tpu.memory_space<semaphore_mem>>)
      %dma_start3A_124 = arith.constant 13 : i32
      %dma_start3A_125 = arith.constant 1664 : i32
      %dma_start3A_126 = tpu.memref_slice %arg6[%dma_start3A_125] : memref<8192xi32, #tpu.memory_space<vmem>> -> memref<128xi32, #tpu.memory_space<vmem>>
      %dma_start3A_127 = arith.constant 0 : i32
      %dma_start3A_128 = tpu.memref_slice %arg5[%dma_start3A_124, %dma_start3A_127] : memref<64x128xi32, #tpu.memory_space<vmem>> -> memref<1x128xi32, #tpu.memory_space<vmem>>
      %dma_start3A_129 = tpu.memref_squeeze %dma_start3A_128 : memref<1x128xi32, #tpu.memory_space<vmem>> -> memref<128xi32, #tpu.memory_space<vmem>>
      %dma_start3A_130 = arith.constant 0 : i32
      %dma_start3A_131 = tpu.memref_slice %arg3[%dma_start3A_130] : memref<33562624xi32, #tpu.memory_space<hbm>> -> memref<33562624xi32, #tpu.memory_space<hbm>>
      tpu.enqueue_indirect_dma source(%dma_start3A_126 : memref<128xi32, #tpu.memory_space<vmem>>) target(%dma_start3A_131 : memref<33562624xi32, #tpu.memory_space<hbm>>) offsets(%dma_start3A_129 : memref<128xi32, #tpu.memory_space<vmem>>) semaphore(%arg7 : memref<!tpu.dma_semaphore, #tpu.memory_space<semaphore_mem>>)
      %dma_start3A_132 = arith.constant 14 : i32
      %dma_start3A_133 = arith.constant 1792 : i32
      %dma_start3A_134 = tpu.memref_slice %arg6[%dma_start3A_133] : memref<8192xi32, #tpu.memory_space<vmem>> -> memref<128xi32, #tpu.memory_space<vmem>>
      %dma_start3A_135 = arith.constant 0 : i32
      %dma_start3A_136 = tpu.memref_slice %arg5[%dma_start3A_132, %dma_start3A_135] : memref<64x128xi32, #tpu.memory_space<vmem>> -> memref<1x128xi32, #tpu.memory_space<vmem>>
      %dma_start3A_137 = tpu.memref_squeeze %dma_start3A_136 : memref<1x128xi32, #tpu.memory_space<vmem>> -> memref<128xi32, #tpu.memory_space<vmem>>
      %dma_start3A_138 = arith.constant 0 : i32
      %dma_start3A_139 = tpu.memref_slice %arg3[%dma_start3A_138] : memref<33562624xi32, #tpu.memory_space<hbm>> -> memref<33562624xi32, #tpu.memory_space<hbm>>
      tpu.enqueue_indirect_dma source(%dma_start3A_134 : memref<128xi32, #tpu.memory_space<vmem>>) target(%dma_start3A_139 : memref<33562624xi32, #tpu.memory_space<hbm>>) offsets(%dma_start3A_137 : memref<128xi32, #tpu.memory_space<vmem>>) semaphore(%arg7 : memref<!tpu.dma_semaphore, #tpu.memory_space<semaphore_mem>>)
      %dma_start3A_140 = arith.constant 15 : i32
      %dma_start3A_141 = arith.constant 1920 : i32
      %dma_start3A_142 = tpu.memref_slice %arg6[%dma_start3A_141] : memref<8192xi32, #tpu.memory_space<vmem>> -> memref<128xi32, #tpu.memory_space<vmem>>
      %dma_start3A_143 = arith.constant 0 : i32
      %dma_start3A_144 = tpu.memref_slice %arg5[%dma_start3A_140, %dma_start3A_143] : memref<64x128xi32, #tpu.memory_space<vmem>> -> memref<1x128xi32, #tpu.memory_space<vmem>>
      %dma_start3A_145 = tpu.memref_squeeze %dma_start3A_144 : memref<1x128xi32, #tpu.memory_space<vmem>> -> memref<128xi32, #tpu.memory_space<vmem>>
      %dma_start3A_146 = arith.constant 0 : i32
      %dma_start3A_147 = tpu.memref_slice %arg3[%dma_start3A_146] : memref<33562624xi32, #tpu.memory_space<hbm>> -> memref<33562624xi32, #tpu.memory_space<hbm>>
      tpu.enqueue_indirect_dma source(%dma_start3A_142 : memref<128xi32, #tpu.memory_space<vmem>>) target(%dma_start3A_147 : memref<33562624xi32, #tpu.memory_space<hbm>>) offsets(%dma_start3A_145 : memref<128xi32, #tpu.memory_space<vmem>>) semaphore(%arg7 : memref<!tpu.dma_semaphore, #tpu.memory_space<semaphore_mem>>)
      %dma_wait3A = arith.constant 0 : i32
      %dma_wait3A_148 = arith.constant 0 : i32
      %dma_wait3A_149 = tpu.memref_slice %arg6[%dma_wait3A_148] : memref<8192xi32, #tpu.memory_space<vmem>> -> memref<128xi32, #tpu.memory_space<vmem>>
      %dma_wait3A_150 = arith.constant 0 : i32
      %dma_wait3A_151 = tpu.memref_slice %arg5[%dma_wait3A, %dma_wait3A_150] : memref<64x128xi32, #tpu.memory_space<vmem>> -> memref<1x128xi32, #tpu.memory_space<vmem>>
      %dma_wait3A_152 = tpu.memref_squeeze %dma_wait3A_151 : memref<1x128xi32, #tpu.memory_space<vmem>> -> memref<128xi32, #tpu.memory_space<vmem>>
      %dma_wait3A_153 = arith.constant 0 : i32
      %dma_wait3A_154 = tpu.memref_slice %arg3[%dma_wait3A_153] : memref<33562624xi32, #tpu.memory_space<hbm>> -> memref<33562624xi32, #tpu.memory_space<hbm>>
      tpu.wait_indirect_dma semaphore(%arg7 : memref<!tpu.dma_semaphore, #tpu.memory_space<semaphore_mem>>) src(%dma_wait3A_149 : memref<128xi32, #tpu.memory_space<vmem>>) dst(%dma_wait3A_154 : memref<33562624xi32, #tpu.memory_space<hbm>>)
      %dma_wait3A_155 = arith.constant 1 : i32
      %dma_wait3A_156 = arith.constant 128 : i32
      %dma_wait3A_157 = tpu.memref_slice %arg6[%dma_wait3A_156] : memref<8192xi32, #tpu.memory_space<vmem>> -> memref<128xi32, #tpu.memory_space<vmem>>
      %dma_wait3A_158 = arith.constant 0 : i32
      %dma_wait3A_159 = tpu.memref_slice %arg5[%dma_wait3A_155, %dma_wait3A_158] : memref<64x128xi32, #tpu.memory_space<vmem>> -> memref<1x128xi32, #tpu.memory_space<vmem>>
      %dma_wait3A_160 = tpu.memref_squeeze %dma_wait3A_159 : memref<1x128xi32, #tpu.memory_space<vmem>> -> memref<128xi32, #tpu.memory_space<vmem>>
      %dma_wait3A_161 = arith.constant 0 : i32
      %dma_wait3A_162 = tpu.memref_slice %arg3[%dma_wait3A_161] : memref<33562624xi32, #tpu.memory_space<hbm>> -> memref<33562624xi32, #tpu.memory_space<hbm>>
      tpu.wait_indirect_dma semaphore(%arg7 : memref<!tpu.dma_semaphore, #tpu.memory_space<semaphore_mem>>) src(%dma_wait3A_157 : memref<128xi32, #tpu.memory_space<vmem>>) dst(%dma_wait3A_162 : memref<33562624xi32, #tpu.memory_space<hbm>>)
      %dma_wait3A_163 = arith.constant 2 : i32
      %dma_wait3A_164 = arith.constant 256 : i32
      %dma_wait3A_165 = tpu.memref_slice %arg6[%dma_wait3A_164] : memref<8192xi32, #tpu.memory_space<vmem>> -> memref<128xi32, #tpu.memory_space<vmem>>
      %dma_wait3A_166 = arith.constant 0 : i32
      %dma_wait3A_167 = tpu.memref_slice %arg5[%dma_wait3A_163, %dma_wait3A_166] : memref<64x128xi32, #tpu.memory_space<vmem>> -> memref<1x128xi32, #tpu.memory_space<vmem>>
      %dma_wait3A_168 = tpu.memref_squeeze %dma_wait3A_167 : memref<1x128xi32, #tpu.memory_space<vmem>> -> memref<128xi32, #tpu.memory_space<vmem>>
      %dma_wait3A_169 = arith.constant 0 : i32
      %dma_wait3A_170 = tpu.memref_slice %arg3[%dma_wait3A_169] : memref<33562624xi32, #tpu.memory_space<hbm>> -> memref<33562624xi32, #tpu.memory_space<hbm>>
      tpu.wait_indirect_dma semaphore(%arg7 : memref<!tpu.dma_semaphore, #tpu.memory_space<semaphore_mem>>) src(%dma_wait3A_165 : memref<128xi32, #tpu.memory_space<vmem>>) dst(%dma_wait3A_170 : memref<33562624xi32, #tpu.memory_space<hbm>>)
      %dma_wait3A_171 = arith.constant 3 : i32
      %dma_wait3A_172 = arith.constant 384 : i32
      %dma_wait3A_173 = tpu.memref_slice %arg6[%dma_wait3A_172] : memref<8192xi32, #tpu.memory_space<vmem>> -> memref<128xi32, #tpu.memory_space<vmem>>
      %dma_wait3A_174 = arith.constant 0 : i32
      %dma_wait3A_175 = tpu.memref_slice %arg5[%dma_wait3A_171, %dma_wait3A_174] : memref<64x128xi32, #tpu.memory_space<vmem>> -> memref<1x128xi32, #tpu.memory_space<vmem>>
      %dma_wait3A_176 = tpu.memref_squeeze %dma_wait3A_175 : memref<1x128xi32, #tpu.memory_space<vmem>> -> memref<128xi32, #tpu.memory_space<vmem>>
      %dma_wait3A_177 = arith.constant 0 : i32
      %dma_wait3A_178 = tpu.memref_slice %arg3[%dma_wait3A_177] : memref<33562624xi32, #tpu.memory_space<hbm>> -> memref<33562624xi32, #tpu.memory_space<hbm>>
      tpu.wait_indirect_dma semaphore(%arg7 : memref<!tpu.dma_semaphore, #tpu.memory_space<semaphore_mem>>) src(%dma_wait3A_173 : memref<128xi32, #tpu.memory_space<vmem>>) dst(%dma_wait3A_178 : memref<33562624xi32, #tpu.memory_space<hbm>>)
      %dma_wait3A_179 = arith.constant 4 : i32
      %dma_wait3A_180 = arith.constant 512 : i32
      %dma_wait3A_181 = tpu.memref_slice %arg6[%dma_wait3A_180] : memref<8192xi32, #tpu.memory_space<vmem>> -> memref<128xi32, #tpu.memory_space<vmem>>
      %dma_wait3A_182 = arith.constant 0 : i32
      %dma_wait3A_183 = tpu.memref_slice %arg5[%dma_wait3A_179, %dma_wait3A_182] : memref<64x128xi32, #tpu.memory_space<vmem>> -> memref<1x128xi32, #tpu.memory_space<vmem>>
      %dma_wait3A_184 = tpu.memref_squeeze %dma_wait3A_183 : memref<1x128xi32, #tpu.memory_space<vmem>> -> memref<128xi32, #tpu.memory_space<vmem>>
      %dma_wait3A_185 = arith.constant 0 : i32
      %dma_wait3A_186 = tpu.memref_slice %arg3[%dma_wait3A_185] : memref<33562624xi32, #tpu.memory_space<hbm>> -> memref<33562624xi32, #tpu.memory_space<hbm>>
      tpu.wait_indirect_dma semaphore(%arg7 : memref<!tpu.dma_semaphore, #tpu.memory_space<semaphore_mem>>) src(%dma_wait3A_181 : memref<128xi32, #tpu.memory_space<vmem>>) dst(%dma_wait3A_186 : memref<33562624xi32, #tpu.memory_space<hbm>>)
      %dma_wait3A_187 = arith.constant 5 : i32
      %dma_wait3A_188 = arith.constant 640 : i32
      %dma_wait3A_189 = tpu.memref_slice %arg6[%dma_wait3A_188] : memref<8192xi32, #tpu.memory_space<vmem>> -> memref<128xi32, #tpu.memory_space<vmem>>
      %dma_wait3A_190 = arith.constant 0 : i32
      %dma_wait3A_191 = tpu.memref_slice %arg5[%dma_wait3A_187, %dma_wait3A_190] : memref<64x128xi32, #tpu.memory_space<vmem>> -> memref<1x128xi32, #tpu.memory_space<vmem>>
      %dma_wait3A_192 = tpu.memref_squeeze %dma_wait3A_191 : memref<1x128xi32, #tpu.memory_space<vmem>> -> memref<128xi32, #tpu.memory_space<vmem>>
      %dma_wait3A_193 = arith.constant 0 : i32
      %dma_wait3A_194 = tpu.memref_slice %arg3[%dma_wait3A_193] : memref<33562624xi32, #tpu.memory_space<hbm>> -> memref<33562624xi32, #tpu.memory_space<hbm>>
      tpu.wait_indirect_dma semaphore(%arg7 : memref<!tpu.dma_semaphore, #tpu.memory_space<semaphore_mem>>) src(%dma_wait3A_189 : memref<128xi32, #tpu.memory_space<vmem>>) dst(%dma_wait3A_194 : memref<33562624xi32, #tpu.memory_space<hbm>>)
      %dma_wait3A_195 = arith.constant 6 : i32
      %dma_wait3A_196 = arith.constant 768 : i32
      %dma_wait3A_197 = tpu.memref_slice %arg6[%dma_wait3A_196] : memref<8192xi32, #tpu.memory_space<vmem>> -> memref<128xi32, #tpu.memory_space<vmem>>
      %dma_wait3A_198 = arith.constant 0 : i32
      %dma_wait3A_199 = tpu.memref_slice %arg5[%dma_wait3A_195, %dma_wait3A_198] : memref<64x128xi32, #tpu.memory_space<vmem>> -> memref<1x128xi32, #tpu.memory_space<vmem>>
      %dma_wait3A_200 = tpu.memref_squeeze %dma_wait3A_199 : memref<1x128xi32, #tpu.memory_space<vmem>> -> memref<128xi32, #tpu.memory_space<vmem>>
      %dma_wait3A_201 = arith.constant 0 : i32
      %dma_wait3A_202 = tpu.memref_slice %arg3[%dma_wait3A_201] : memref<33562624xi32, #tpu.memory_space<hbm>> -> memref<33562624xi32, #tpu.memory_space<hbm>>
      tpu.wait_indirect_dma semaphore(%arg7 : memref<!tpu.dma_semaphore, #tpu.memory_space<semaphore_mem>>) src(%dma_wait3A_197 : memref<128xi32, #tpu.memory_space<vmem>>) dst(%dma_wait3A_202 : memref<33562624xi32, #tpu.memory_space<hbm>>)
      %dma_wait3A_203 = arith.constant 7 : i32
      %dma_wait3A_204 = arith.constant 896 : i32
      %dma_wait3A_205 = tpu.memref_slice %arg6[%dma_wait3A_204] : memref<8192xi32, #tpu.memory_space<vmem>> -> memref<128xi32, #tpu.memory_space<vmem>>
      %dma_wait3A_206 = arith.constant 0 : i32
      %dma_wait3A_207 = tpu.memref_slice %arg5[%dma_wait3A_203, %dma_wait3A_206] : memref<64x128xi32, #tpu.memory_space<vmem>> -> memref<1x128xi32, #tpu.memory_space<vmem>>
      %dma_wait3A_208 = tpu.memref_squeeze %dma_wait3A_207 : memref<1x128xi32, #tpu.memory_space<vmem>> -> memref<128xi32, #tpu.memory_space<vmem>>
      %dma_wait3A_209 = arith.constant 0 : i32
      %dma_wait3A_210 = tpu.memref_slice %arg3[%dma_wait3A_209] : memref<33562624xi32, #tpu.memory_space<hbm>> -> memref<33562624xi32, #tpu.memory_space<hbm>>
      tpu.wait_indirect_dma semaphore(%arg7 : memref<!tpu.dma_semaphore, #tpu.memory_space<semaphore_mem>>) src(%dma_wait3A_205 : memref<128xi32, #tpu.memory_space<vmem>>) dst(%dma_wait3A_210 : memref<33562624xi32, #tpu.memory_space<hbm>>)
      %dma_wait3A_211 = arith.constant 8 : i32
      %dma_wait3A_212 = arith.constant 1024 : i32
      %dma_wait3A_213 = tpu.memref_slice %arg6[%dma_wait3A_212] : memref<8192xi32, #tpu.memory_space<vmem>> -> memref<128xi32, #tpu.memory_space<vmem>>
      %dma_wait3A_214 = arith.constant 0 : i32
      %dma_wait3A_215 = tpu.memref_slice %arg5[%dma_wait3A_211, %dma_wait3A_214] : memref<64x128xi32, #tpu.memory_space<vmem>> -> memref<1x128xi32, #tpu.memory_space<vmem>>
      %dma_wait3A_216 = tpu.memref_squeeze %dma_wait3A_215 : memref<1x128xi32, #tpu.memory_space<vmem>> -> memref<128xi32, #tpu.memory_space<vmem>>
      %dma_wait3A_217 = arith.constant 0 : i32
      %dma_wait3A_218 = tpu.memref_slice %arg3[%dma_wait3A_217] : memref<33562624xi32, #tpu.memory_space<hbm>> -> memref<33562624xi32, #tpu.memory_space<hbm>>
      tpu.wait_indirect_dma semaphore(%arg7 : memref<!tpu.dma_semaphore, #tpu.memory_space<semaphore_mem>>) src(%dma_wait3A_213 : memref<128xi32, #tpu.memory_space<vmem>>) dst(%dma_wait3A_218 : memref<33562624xi32, #tpu.memory_space<hbm>>)
      %dma_wait3A_219 = arith.constant 9 : i32
      %dma_wait3A_220 = arith.constant 1152 : i32
      %dma_wait3A_221 = tpu.memref_slice %arg6[%dma_wait3A_220] : memref<8192xi32, #tpu.memory_space<vmem>> -> memref<128xi32, #tpu.memory_space<vmem>>
      %dma_wait3A_222 = arith.constant 0 : i32
      %dma_wait3A_223 = tpu.memref_slice %arg5[%dma_wait3A_219, %dma_wait3A_222] : memref<64x128xi32, #tpu.memory_space<vmem>> -> memref<1x128xi32, #tpu.memory_space<vmem>>
      %dma_wait3A_224 = tpu.memref_squeeze %dma_wait3A_223 : memref<1x128xi32, #tpu.memory_space<vmem>> -> memref<128xi32, #tpu.memory_space<vmem>>
      %dma_wait3A_225 = arith.constant 0 : i32
      %dma_wait3A_226 = tpu.memref_slice %arg3[%dma_wait3A_225] : memref<33562624xi32, #tpu.memory_space<hbm>> -> memref<33562624xi32, #tpu.memory_space<hbm>>
      tpu.wait_indirect_dma semaphore(%arg7 : memref<!tpu.dma_semaphore, #tpu.memory_space<semaphore_mem>>) src(%dma_wait3A_221 : memref<128xi32, #tpu.memory_space<vmem>>) dst(%dma_wait3A_226 : memref<33562624xi32, #tpu.memory_space<hbm>>)
      %dma_wait3A_227 = arith.constant 10 : i32
      %dma_wait3A_228 = arith.constant 1280 : i32
      %dma_wait3A_229 = tpu.memref_slice %arg6[%dma_wait3A_228] : memref<8192xi32, #tpu.memory_space<vmem>> -> memref<128xi32, #tpu.memory_space<vmem>>
      %dma_wait3A_230 = arith.constant 0 : i32
      %dma_wait3A_231 = tpu.memref_slice %arg5[%dma_wait3A_227, %dma_wait3A_230] : memref<64x128xi32, #tpu.memory_space<vmem>> -> memref<1x128xi32, #tpu.memory_space<vmem>>
      %dma_wait3A_232 = tpu.memref_squeeze %dma_wait3A_231 : memref<1x128xi32, #tpu.memory_space<vmem>> -> memref<128xi32, #tpu.memory_space<vmem>>
      %dma_wait3A_233 = arith.constant 0 : i32
      %dma_wait3A_234 = tpu.memref_slice %arg3[%dma_wait3A_233] : memref<33562624xi32, #tpu.memory_space<hbm>> -> memref<33562624xi32, #tpu.memory_space<hbm>>
      tpu.wait_indirect_dma semaphore(%arg7 : memref<!tpu.dma_semaphore, #tpu.memory_space<semaphore_mem>>) src(%dma_wait3A_229 : memref<128xi32, #tpu.memory_space<vmem>>) dst(%dma_wait3A_234 : memref<33562624xi32, #tpu.memory_space<hbm>>)
      %dma_wait3A_235 = arith.constant 11 : i32
      %dma_wait3A_236 = arith.constant 1408 : i32
      %dma_wait3A_237 = tpu.memref_slice %arg6[%dma_wait3A_236] : memref<8192xi32, #tpu.memory_space<vmem>> -> memref<128xi32, #tpu.memory_space<vmem>>
      %dma_wait3A_238 = arith.constant 0 : i32
      %dma_wait3A_239 = tpu.memref_slice %arg5[%dma_wait3A_235, %dma_wait3A_238] : memref<64x128xi32, #tpu.memory_space<vmem>> -> memref<1x128xi32, #tpu.memory_space<vmem>>
      %dma_wait3A_240 = tpu.memref_squeeze %dma_wait3A_239 : memref<1x128xi32, #tpu.memory_space<vmem>> -> memref<128xi32, #tpu.memory_space<vmem>>
      %dma_wait3A_241 = arith.constant 0 : i32
      %dma_wait3A_242 = tpu.memref_slice %arg3[%dma_wait3A_241] : memref<33562624xi32, #tpu.memory_space<hbm>> -> memref<33562624xi32, #tpu.memory_space<hbm>>
      tpu.wait_indirect_dma semaphore(%arg7 : memref<!tpu.dma_semaphore, #tpu.memory_space<semaphore_mem>>) src(%dma_wait3A_237 : memref<128xi32, #tpu.memory_space<vmem>>) dst(%dma_wait3A_242 : memref<33562624xi32, #tpu.memory_space<hbm>>)
      %dma_wait3A_243 = arith.constant 12 : i32
      %dma_wait3A_244 = arith.constant 1536 : i32
      %dma_wait3A_245 = tpu.memref_slice %arg6[%dma_wait3A_244] : memref<8192xi32, #tpu.memory_space<vmem>> -> memref<128xi32, #tpu.memory_space<vmem>>
      %dma_wait3A_246 = arith.constant 0 : i32
      %dma_wait3A_247 = tpu.memref_slice %arg5[%dma_wait3A_243, %dma_wait3A_246] : memref<64x128xi32, #tpu.memory_space<vmem>> -> memref<1x128xi32, #tpu.memory_space<vmem>>
      %dma_wait3A_248 = tpu.memref_squeeze %dma_wait3A_247 : memref<1x128xi32, #tpu.memory_space<vmem>> -> memref<128xi32, #tpu.memory_space<vmem>>
      %dma_wait3A_249 = arith.constant 0 : i32
      %dma_wait3A_250 = tpu.memref_slice %arg3[%dma_wait3A_249] : memref<33562624xi32, #tpu.memory_space<hbm>> -> memref<33562624xi32, #tpu.memory_space<hbm>>
      tpu.wait_indirect_dma semaphore(%arg7 : memref<!tpu.dma_semaphore, #tpu.memory_space<semaphore_mem>>) src(%dma_wait3A_245 : memref<128xi32, #tpu.memory_space<vmem>>) dst(%dma_wait3A_250 : memref<33562624xi32, #tpu.memory_space<hbm>>)
      %dma_wait3A_251 = arith.constant 13 : i32
      %dma_wait3A_252 = arith.constant 1664 : i32
      %dma_wait3A_253 = tpu.memref_slice %arg6[%dma_wait3A_252] : memref<8192xi32, #tpu.memory_space<vmem>> -> memref<128xi32, #tpu.memory_space<vmem>>
      %dma_wait3A_254 = arith.constant 0 : i32
      %dma_wait3A_255 = tpu.memref_slice %arg5[%dma_wait3A_251, %dma_wait3A_254] : memref<64x128xi32, #tpu.memory_space<vmem>> -> memref<1x128xi32, #tpu.memory_space<vmem>>
      %dma_wait3A_256 = tpu.memref_squeeze %dma_wait3A_255 : memref<1x128xi32, #tpu.memory_space<vmem>> -> memref<128xi32, #tpu.memory_space<vmem>>
      %dma_wait3A_257 = arith.constant 0 : i32
      %dma_wait3A_258 = tpu.memref_slice %arg3[%dma_wait3A_257] : memref<33562624xi32, #tpu.memory_space<hbm>> -> memref<33562624xi32, #tpu.memory_space<hbm>>
      tpu.wait_indirect_dma semaphore(%arg7 : memref<!tpu.dma_semaphore, #tpu.memory_space<semaphore_mem>>) src(%dma_wait3A_253 : memref<128xi32, #tpu.memory_space<vmem>>) dst(%dma_wait3A_258 : memref<33562624xi32, #tpu.memory_space<hbm>>)
      %dma_wait3A_259 = arith.constant 14 : i32
      %dma_wait3A_260 = arith.constant 1792 : i32
      %dma_wait3A_261 = tpu.memref_slice %arg6[%dma_wait3A_260] : memref<8192xi32, #tpu.memory_space<vmem>> -> memref<128xi32, #tpu.memory_space<vmem>>
      %dma_wait3A_262 = arith.constant 0 : i32
      %dma_wait3A_263 = tpu.memref_slice %arg5[%dma_wait3A_259, %dma_wait3A_262] : memref<64x128xi32, #tpu.memory_space<vmem>> -> memref<1x128xi32, #tpu.memory_space<vmem>>
      %dma_wait3A_264 = tpu.memref_squeeze %dma_wait3A_263 : memref<1x128xi32, #tpu.memory_space<vmem>> -> memref<128xi32, #tpu.memory_space<vmem>>
      %dma_wait3A_265 = arith.constant 0 : i32
      %dma_wait3A_266 = tpu.memref_slice %arg3[%dma_wait3A_265] : memref<33562624xi32, #tpu.memory_space<hbm>> -> memref<33562624xi32, #tpu.memory_space<hbm>>
      tpu.wait_indirect_dma semaphore(%arg7 : memref<!tpu.dma_semaphore, #tpu.memory_space<semaphore_mem>>) src(%dma_wait3A_261 : memref<128xi32, #tpu.memory_space<vmem>>) dst(%dma_wait3A_266 : memref<33562624xi32, #tpu.memory_space<hbm>>)
      %dma_wait3A_267 = arith.constant 15 : i32
      %dma_wait3A_268 = arith.constant 1920 : i32
      %dma_wait3A_269 = tpu.memref_slice %arg6[%dma_wait3A_268] : memref<8192xi32, #tpu.memory_space<vmem>> -> memref<128xi32, #tpu.memory_space<vmem>>
      %dma_wait3A_270 = arith.constant 0 : i32
      %dma_wait3A_271 = tpu.memref_slice %arg5[%dma_wait3A_267, %dma_wait3A_270] : memref<64x128xi32, #tpu.memory_space<vmem>> -> memref<1x128xi32, #tpu.memory_space<vmem>>
      %dma_wait3A_272 = tpu.memref_squeeze %dma_wait3A_271 : memref<1x128xi32, #tpu.memory_space<vmem>> -> memref<128xi32, #tpu.memory_space<vmem>>
      %dma_wait3A_273 = arith.constant 0 : i32
      %dma_wait3A_274 = tpu.memref_slice %arg3[%dma_wait3A_273] : memref<33562624xi32, #tpu.memory_space<hbm>> -> memref<33562624xi32, #tpu.memory_space<hbm>>
      tpu.wait_indirect_dma semaphore(%arg7 : memref<!tpu.dma_semaphore, #tpu.memory_space<semaphore_mem>>) src(%dma_wait3A_269 : memref<128xi32, #tpu.memory_space<vmem>>) dst(%dma_wait3A_274 : memref<33562624xi32, #tpu.memory_space<hbm>>)
      %dma_start3A_275 = arith.constant 16 : i32
      %dma_start3A_276 = arith.constant 2048 : i32
      %dma_start3A_277 = tpu.memref_slice %arg6[%dma_start3A_276] : memref<8192xi32, #tpu.memory_space<vmem>> -> memref<128xi32, #tpu.memory_space<vmem>>
      %dma_start3A_278 = arith.constant 0 : i32
      %dma_start3A_279 = tpu.memref_slice %arg5[%dma_start3A_275, %dma_start3A_278] : memref<64x128xi32, #tpu.memory_space<vmem>> -> memref<1x128xi32, #tpu.memory_space<vmem>>
      %dma_start3A_280 = tpu.memref_squeeze %dma_start3A_279 : memref<1x128xi32, #tpu.memory_space<vmem>> -> memref<128xi32, #tpu.memory_space<vmem>>
      %dma_start3A_281 = arith.constant 0 : i32
      %dma_start3A_282 = tpu.memref_slice %arg3[%dma_start3A_281] : memref<33562624xi32, #tpu.memory_space<hbm>> -> memref<33562624xi32, #tpu.memory_space<hbm>>
      tpu.enqueue_indirect_dma source(%dma_start3A_277 : memref<128xi32, #tpu.memory_space<vmem>>) target(%dma_start3A_282 : memref<33562624xi32, #tpu.memory_space<hbm>>) offsets(%dma_start3A_280 : memref<128xi32, #tpu.memory_space<vmem>>) semaphore(%arg7 : memref<!tpu.dma_semaphore, #tpu.memory_space<semaphore_mem>>)
      %dma_start3A_283 = arith.constant 17 : i32
      %dma_start3A_284 = arith.constant 2176 : i32
      %dma_start3A_285 = tpu.memref_slice %arg6[%dma_start3A_284] : memref<8192xi32, #tpu.memory_space<vmem>> -> memref<128xi32, #tpu.memory_space<vmem>>
      %dma_start3A_286 = arith.constant 0 : i32
      %dma_start3A_287 = tpu.memref_slice %arg5[%dma_start3A_283, %dma_start3A_286] : memref<64x128xi32, #tpu.memory_space<vmem>> -> memref<1x128xi32, #tpu.memory_space<vmem>>
      %dma_start3A_288 = tpu.memref_squeeze %dma_start3A_287 : memref<1x128xi32, #tpu.memory_space<vmem>> -> memref<128xi32, #tpu.memory_space<vmem>>
      %dma_start3A_289 = arith.constant 0 : i32
      %dma_start3A_290 = tpu.memref_slice %arg3[%dma_start3A_289] : memref<33562624xi32, #tpu.memory_space<hbm>> -> memref<33562624xi32, #tpu.memory_space<hbm>>
      tpu.enqueue_indirect_dma source(%dma_start3A_285 : memref<128xi32, #tpu.memory_space<vmem>>) target(%dma_start3A_290 : memref<33562624xi32, #tpu.memory_space<hbm>>) offsets(%dma_start3A_288 : memref<128xi32, #tpu.memory_space<vmem>>) semaphore(%arg7 : memref<!tpu.dma_semaphore, #tpu.memory_space<semaphore_mem>>)
      %dma_start3A_291 = arith.constant 18 : i32
      %dma_start3A_292 = arith.constant 2304 : i32
      %dma_start3A_293 = tpu.memref_slice %arg6[%dma_start3A_292] : memref<8192xi32, #tpu.memory_space<vmem>> -> memref<128xi32, #tpu.memory_space<vmem>>
      %dma_start3A_294 = arith.constant 0 : i32
      %dma_start3A_295 = tpu.memref_slice %arg5[%dma_start3A_291, %dma_start3A_294] : memref<64x128xi32, #tpu.memory_space<vmem>> -> memref<1x128xi32, #tpu.memory_space<vmem>>
      %dma_start3A_296 = tpu.memref_squeeze %dma_start3A_295 : memref<1x128xi32, #tpu.memory_space<vmem>> -> memref<128xi32, #tpu.memory_space<vmem>>
      %dma_start3A_297 = arith.constant 0 : i32
      %dma_start3A_298 = tpu.memref_slice %arg3[%dma_start3A_297] : memref<33562624xi32, #tpu.memory_space<hbm>> -> memref<33562624xi32, #tpu.memory_space<hbm>>
      tpu.enqueue_indirect_dma source(%dma_start3A_293 : memref<128xi32, #tpu.memory_space<vmem>>) target(%dma_start3A_298 : memref<33562624xi32, #tpu.memory_space<hbm>>) offsets(%dma_start3A_296 : memref<128xi32, #tpu.memory_space<vmem>>) semaphore(%arg7 : memref<!tpu.dma_semaphore, #tpu.memory_space<semaphore_mem>>)
      %dma_start3A_299 = arith.constant 19 : i32
      %dma_start3A_300 = arith.constant 2432 : i32
      %dma_start3A_301 = tpu.memref_slice %arg6[%dma_start3A_300] : memref<8192xi32, #tpu.memory_space<vmem>> -> memref<128xi32, #tpu.memory_space<vmem>>
      %dma_start3A_302 = arith.constant 0 : i32
      %dma_start3A_303 = tpu.memref_slice %arg5[%dma_start3A_299, %dma_start3A_302] : memref<64x128xi32, #tpu.memory_space<vmem>> -> memref<1x128xi32, #tpu.memory_space<vmem>>
      %dma_start3A_304 = tpu.memref_squeeze %dma_start3A_303 : memref<1x128xi32, #tpu.memory_space<vmem>> -> memref<128xi32, #tpu.memory_space<vmem>>
      %dma_start3A_305 = arith.constant 0 : i32
      %dma_start3A_306 = tpu.memref_slice %arg3[%dma_start3A_305] : memref<33562624xi32, #tpu.memory_space<hbm>> -> memref<33562624xi32, #tpu.memory_space<hbm>>
      tpu.enqueue_indirect_dma source(%dma_start3A_301 : memref<128xi32, #tpu.memory_space<vmem>>) target(%dma_start3A_306 : memref<33562624xi32, #tpu.memory_space<hbm>>) offsets(%dma_start3A_304 : memref<128xi32, #tpu.memory_space<vmem>>) semaphore(%arg7 : memref<!tpu.dma_semaphore, #tpu.memory_space<semaphore_mem>>)
      %dma_start3A_307 = arith.constant 20 : i32
      %dma_start3A_308 = arith.constant 2560 : i32
      %dma_start3A_309 = tpu.memref_slice %arg6[%dma_start3A_308] : memref<8192xi32, #tpu.memory_space<vmem>> -> memref<128xi32, #tpu.memory_space<vmem>>
      %dma_start3A_310 = arith.constant 0 : i32
      %dma_start3A_311 = tpu.memref_slice %arg5[%dma_start3A_307, %dma_start3A_310] : memref<64x128xi32, #tpu.memory_space<vmem>> -> memref<1x128xi32, #tpu.memory_space<vmem>>
      %dma_start3A_312 = tpu.memref_squeeze %dma_start3A_311 : memref<1x128xi32, #tpu.memory_space<vmem>> -> memref<128xi32, #tpu.memory_space<vmem>>
      %dma_start3A_313 = arith.constant 0 : i32
      %dma_start3A_314 = tpu.memref_slice %arg3[%dma_start3A_313] : memref<33562624xi32, #tpu.memory_space<hbm>> -> memref<33562624xi32, #tpu.memory_space<hbm>>
      tpu.enqueue_indirect_dma source(%dma_start3A_309 : memref<128xi32, #tpu.memory_space<vmem>>) target(%dma_start3A_314 : memref<33562624xi32, #tpu.memory_space<hbm>>) offsets(%dma_start3A_312 : memref<128xi32, #tpu.memory_space<vmem>>) semaphore(%arg7 : memref<!tpu.dma_semaphore, #tpu.memory_space<semaphore_mem>>)
      %dma_start3A_315 = arith.constant 21 : i32
      %dma_start3A_316 = arith.constant 2688 : i32
      %dma_start3A_317 = tpu.memref_slice %arg6[%dma_start3A_316] : memref<8192xi32, #tpu.memory_space<vmem>> -> memref<128xi32, #tpu.memory_space<vmem>>
      %dma_start3A_318 = arith.constant 0 : i32
      %dma_start3A_319 = tpu.memref_slice %arg5[%dma_start3A_315, %dma_start3A_318] : memref<64x128xi32, #tpu.memory_space<vmem>> -> memref<1x128xi32, #tpu.memory_space<vmem>>
      %dma_start3A_320 = tpu.memref_squeeze %dma_start3A_319 : memref<1x128xi32, #tpu.memory_space<vmem>> -> memref<128xi32, #tpu.memory_space<vmem>>
      %dma_start3A_321 = arith.constant 0 : i32
      %dma_start3A_322 = tpu.memref_slice %arg3[%dma_start3A_321] : memref<33562624xi32, #tpu.memory_space<hbm>> -> memref<33562624xi32, #tpu.memory_space<hbm>>
      tpu.enqueue_indirect_dma source(%dma_start3A_317 : memref<128xi32, #tpu.memory_space<vmem>>) target(%dma_start3A_322 : memref<33562624xi32, #tpu.memory_space<hbm>>) offsets(%dma_start3A_320 : memref<128xi32, #tpu.memory_space<vmem>>) semaphore(%arg7 : memref<!tpu.dma_semaphore, #tpu.memory_space<semaphore_mem>>)
      %dma_start3A_323 = arith.constant 22 : i32
      %dma_start3A_324 = arith.constant 2816 : i32
      %dma_start3A_325 = tpu.memref_slice %arg6[%dma_start3A_324] : memref<8192xi32, #tpu.memory_space<vmem>> -> memref<128xi32, #tpu.memory_space<vmem>>
      %dma_start3A_326 = arith.constant 0 : i32
      %dma_start3A_327 = tpu.memref_slice %arg5[%dma_start3A_323, %dma_start3A_326] : memref<64x128xi32, #tpu.memory_space<vmem>> -> memref<1x128xi32, #tpu.memory_space<vmem>>
      %dma_start3A_328 = tpu.memref_squeeze %dma_start3A_327 : memref<1x128xi32, #tpu.memory_space<vmem>> -> memref<128xi32, #tpu.memory_space<vmem>>
      %dma_start3A_329 = arith.constant 0 : i32
      %dma_start3A_330 = tpu.memref_slice %arg3[%dma_start3A_329] : memref<33562624xi32, #tpu.memory_space<hbm>> -> memref<33562624xi32, #tpu.memory_space<hbm>>
      tpu.enqueue_indirect_dma source(%dma_start3A_325 : memref<128xi32, #tpu.memory_space<vmem>>) target(%dma_start3A_330 : memref<33562624xi32, #tpu.memory_space<hbm>>) offsets(%dma_start3A_328 : memref<128xi32, #tpu.memory_space<vmem>>) semaphore(%arg7 : memref<!tpu.dma_semaphore, #tpu.memory_space<semaphore_mem>>)
      %dma_start3A_331 = arith.constant 23 : i32
      %dma_start3A_332 = arith.constant 2944 : i32
      %dma_start3A_333 = tpu.memref_slice %arg6[%dma_start3A_332] : memref<8192xi32, #tpu.memory_space<vmem>> -> memref<128xi32, #tpu.memory_space<vmem>>
      %dma_start3A_334 = arith.constant 0 : i32
      %dma_start3A_335 = tpu.memref_slice %arg5[%dma_start3A_331, %dma_start3A_334] : memref<64x128xi32, #tpu.memory_space<vmem>> -> memref<1x128xi32, #tpu.memory_space<vmem>>
      %dma_start3A_336 = tpu.memref_squeeze %dma_start3A_335 : memref<1x128xi32, #tpu.memory_space<vmem>> -> memref<128xi32, #tpu.memory_space<vmem>>
      %dma_start3A_337 = arith.constant 0 : i32
      %dma_start3A_338 = tpu.memref_slice %arg3[%dma_start3A_337] : memref<33562624xi32, #tpu.memory_space<hbm>> -> memref<33562624xi32, #tpu.memory_space<hbm>>
      tpu.enqueue_indirect_dma source(%dma_start3A_333 : memref<128xi32, #tpu.memory_space<vmem>>) target(%dma_start3A_338 : memref<33562624xi32, #tpu.memory_space<hbm>>) offsets(%dma_start3A_336 : memref<128xi32, #tpu.memory_space<vmem>>) semaphore(%arg7 : memref<!tpu.dma_semaphore, #tpu.memory_space<semaphore_mem>>)
      %dma_start3A_339 = arith.constant 24 : i32
      %dma_start3A_340 = arith.constant 3072 : i32
      %dma_start3A_341 = tpu.memref_slice %arg6[%dma_start3A_340] : memref<8192xi32, #tpu.memory_space<vmem>> -> memref<128xi32, #tpu.memory_space<vmem>>
      %dma_start3A_342 = arith.constant 0 : i32
      %dma_start3A_343 = tpu.memref_slice %arg5[%dma_start3A_339, %dma_start3A_342] : memref<64x128xi32, #tpu.memory_space<vmem>> -> memref<1x128xi32, #tpu.memory_space<vmem>>
      %dma_start3A_344 = tpu.memref_squeeze %dma_start3A_343 : memref<1x128xi32, #tpu.memory_space<vmem>> -> memref<128xi32, #tpu.memory_space<vmem>>
      %dma_start3A_345 = arith.constant 0 : i32
      %dma_start3A_346 = tpu.memref_slice %arg3[%dma_start3A_345] : memref<33562624xi32, #tpu.memory_space<hbm>> -> memref<33562624xi32, #tpu.memory_space<hbm>>
      tpu.enqueue_indirect_dma source(%dma_start3A_341 : memref<128xi32, #tpu.memory_space<vmem>>) target(%dma_start3A_346 : memref<33562624xi32, #tpu.memory_space<hbm>>) offsets(%dma_start3A_344 : memref<128xi32, #tpu.memory_space<vmem>>) semaphore(%arg7 : memref<!tpu.dma_semaphore, #tpu.memory_space<semaphore_mem>>)
      %dma_start3A_347 = arith.constant 25 : i32
      %dma_start3A_348 = arith.constant 3200 : i32
      %dma_start3A_349 = tpu.memref_slice %arg6[%dma_start3A_348] : memref<8192xi32, #tpu.memory_space<vmem>> -> memref<128xi32, #tpu.memory_space<vmem>>
      %dma_start3A_350 = arith.constant 0 : i32
      %dma_start3A_351 = tpu.memref_slice %arg5[%dma_start3A_347, %dma_start3A_350] : memref<64x128xi32, #tpu.memory_space<vmem>> -> memref<1x128xi32, #tpu.memory_space<vmem>>
      %dma_start3A_352 = tpu.memref_squeeze %dma_start3A_351 : memref<1x128xi32, #tpu.memory_space<vmem>> -> memref<128xi32, #tpu.memory_space<vmem>>
      %dma_start3A_353 = arith.constant 0 : i32
      %dma_start3A_354 = tpu.memref_slice %arg3[%dma_start3A_353] : memref<33562624xi32, #tpu.memory_space<hbm>> -> memref<33562624xi32, #tpu.memory_space<hbm>>
      tpu.enqueue_indirect_dma source(%dma_start3A_349 : memref<128xi32, #tpu.memory_space<vmem>>) target(%dma_start3A_354 : memref<33562624xi32, #tpu.memory_space<hbm>>) offsets(%dma_start3A_352 : memref<128xi32, #tpu.memory_space<vmem>>) semaphore(%arg7 : memref<!tpu.dma_semaphore, #tpu.memory_space<semaphore_mem>>)
      %dma_start3A_355 = arith.constant 26 : i32
      %dma_start3A_356 = arith.constant 3328 : i32
      %dma_start3A_357 = tpu.memref_slice %arg6[%dma_start3A_356] : memref<8192xi32, #tpu.memory_space<vmem>> -> memref<128xi32, #tpu.memory_space<vmem>>
      %dma_start3A_358 = arith.constant 0 : i32
      %dma_start3A_359 = tpu.memref_slice %arg5[%dma_start3A_355, %dma_start3A_358] : memref<64x128xi32, #tpu.memory_space<vmem>> -> memref<1x128xi32, #tpu.memory_space<vmem>>
      %dma_start3A_360 = tpu.memref_squeeze %dma_start3A_359 : memref<1x128xi32, #tpu.memory_space<vmem>> -> memref<128xi32, #tpu.memory_space<vmem>>
      %dma_start3A_361 = arith.constant 0 : i32
      %dma_start3A_362 = tpu.memref_slice %arg3[%dma_start3A_361] : memref<33562624xi32, #tpu.memory_space<hbm>> -> memref<33562624xi32, #tpu.memory_space<hbm>>
      tpu.enqueue_indirect_dma source(%dma_start3A_357 : memref<128xi32, #tpu.memory_space<vmem>>) target(%dma_start3A_362 : memref<33562624xi32, #tpu.memory_space<hbm>>) offsets(%dma_start3A_360 : memref<128xi32, #tpu.memory_space<vmem>>) semaphore(%arg7 : memref<!tpu.dma_semaphore, #tpu.memory_space<semaphore_mem>>)
      %dma_start3A_363 = arith.constant 27 : i32
      %dma_start3A_364 = arith.constant 3456 : i32
      %dma_start3A_365 = tpu.memref_slice %arg6[%dma_start3A_364] : memref<8192xi32, #tpu.memory_space<vmem>> -> memref<128xi32, #tpu.memory_space<vmem>>
      %dma_start3A_366 = arith.constant 0 : i32
      %dma_start3A_367 = tpu.memref_slice %arg5[%dma_start3A_363, %dma_start3A_366] : memref<64x128xi32, #tpu.memory_space<vmem>> -> memref<1x128xi32, #tpu.memory_space<vmem>>
      %dma_start3A_368 = tpu.memref_squeeze %dma_start3A_367 : memref<1x128xi32, #tpu.memory_space<vmem>> -> memref<128xi32, #tpu.memory_space<vmem>>
      %dma_start3A_369 = arith.constant 0 : i32
      %dma_start3A_370 = tpu.memref_slice %arg3[%dma_start3A_369] : memref<33562624xi32, #tpu.memory_space<hbm>> -> memref<33562624xi32, #tpu.memory_space<hbm>>
      tpu.enqueue_indirect_dma source(%dma_start3A_365 : memref<128xi32, #tpu.memory_space<vmem>>) target(%dma_start3A_370 : memref<33562624xi32, #tpu.memory_space<hbm>>) offsets(%dma_start3A_368 : memref<128xi32, #tpu.memory_space<vmem>>) semaphore(%arg7 : memref<!tpu.dma_semaphore, #tpu.memory_space<semaphore_mem>>)
      %dma_start3A_371 = arith.constant 28 : i32
      %dma_start3A_372 = arith.constant 3584 : i32
      %dma_start3A_373 = tpu.memref_slice %arg6[%dma_start3A_372] : memref<8192xi32, #tpu.memory_space<vmem>> -> memref<128xi32, #tpu.memory_space<vmem>>
      %dma_start3A_374 = arith.constant 0 : i32
      %dma_start3A_375 = tpu.memref_slice %arg5[%dma_start3A_371, %dma_start3A_374] : memref<64x128xi32, #tpu.memory_space<vmem>> -> memref<1x128xi32, #tpu.memory_space<vmem>>
      %dma_start3A_376 = tpu.memref_squeeze %dma_start3A_375 : memref<1x128xi32, #tpu.memory_space<vmem>> -> memref<128xi32, #tpu.memory_space<vmem>>
      %dma_start3A_377 = arith.constant 0 : i32
      %dma_start3A_378 = tpu.memref_slice %arg3[%dma_start3A_377] : memref<33562624xi32, #tpu.memory_space<hbm>> -> memref<33562624xi32, #tpu.memory_space<hbm>>
      tpu.enqueue_indirect_dma source(%dma_start3A_373 : memref<128xi32, #tpu.memory_space<vmem>>) target(%dma_start3A_378 : memref<33562624xi32, #tpu.memory_space<hbm>>) offsets(%dma_start3A_376 : memref<128xi32, #tpu.memory_space<vmem>>) semaphore(%arg7 : memref<!tpu.dma_semaphore, #tpu.memory_space<semaphore_mem>>)
      %dma_start3A_379 = arith.constant 29 : i32
      %dma_start3A_380 = arith.constant 3712 : i32
      %dma_start3A_381 = tpu.memref_slice %arg6[%dma_start3A_380] : memref<8192xi32, #tpu.memory_space<vmem>> -> memref<128xi32, #tpu.memory_space<vmem>>
      %dma_start3A_382 = arith.constant 0 : i32
      %dma_start3A_383 = tpu.memref_slice %arg5[%dma_start3A_379, %dma_start3A_382] : memref<64x128xi32, #tpu.memory_space<vmem>> -> memref<1x128xi32, #tpu.memory_space<vmem>>
      %dma_start3A_384 = tpu.memref_squeeze %dma_start3A_383 : memref<1x128xi32, #tpu.memory_space<vmem>> -> memref<128xi32, #tpu.memory_space<vmem>>
      %dma_start3A_385 = arith.constant 0 : i32
      %dma_start3A_386 = tpu.memref_slice %arg3[%dma_start3A_385] : memref<33562624xi32, #tpu.memory_space<hbm>> -> memref<33562624xi32, #tpu.memory_space<hbm>>
      tpu.enqueue_indirect_dma source(%dma_start3A_381 : memref<128xi32, #tpu.memory_space<vmem>>) target(%dma_start3A_386 : memref<33562624xi32, #tpu.memory_space<hbm>>) offsets(%dma_start3A_384 : memref<128xi32, #tpu.memory_space<vmem>>) semaphore(%arg7 : memref<!tpu.dma_semaphore, #tpu.memory_space<semaphore_mem>>)
      %dma_start3A_387 = arith.constant 30 : i32
      %dma_start3A_388 = arith.constant 3840 : i32
      %dma_start3A_389 = tpu.memref_slice %arg6[%dma_start3A_388] : memref<8192xi32, #tpu.memory_space<vmem>> -> memref<128xi32, #tpu.memory_space<vmem>>
      %dma_start3A_390 = arith.constant 0 : i32
      %dma_start3A_391 = tpu.memref_slice %arg5[%dma_start3A_387, %dma_start3A_390] : memref<64x128xi32, #tpu.memory_space<vmem>> -> memref<1x128xi32, #tpu.memory_space<vmem>>
      %dma_start3A_392 = tpu.memref_squeeze %dma_start3A_391 : memref<1x128xi32, #tpu.memory_space<vmem>> -> memref<128xi32, #tpu.memory_space<vmem>>
      %dma_start3A_393 = arith.constant 0 : i32
      %dma_start3A_394 = tpu.memref_slice %arg3[%dma_start3A_393] : memref<33562624xi32, #tpu.memory_space<hbm>> -> memref<33562624xi32, #tpu.memory_space<hbm>>
      tpu.enqueue_indirect_dma source(%dma_start3A_389 : memref<128xi32, #tpu.memory_space<vmem>>) target(%dma_start3A_394 : memref<33562624xi32, #tpu.memory_space<hbm>>) offsets(%dma_start3A_392 : memref<128xi32, #tpu.memory_space<vmem>>) semaphore(%arg7 : memref<!tpu.dma_semaphore, #tpu.memory_space<semaphore_mem>>)
      %dma_start3A_395 = arith.constant 31 : i32
      %dma_start3A_396 = arith.constant 3968 : i32
      %dma_start3A_397 = tpu.memref_slice %arg6[%dma_start3A_396] : memref<8192xi32, #tpu.memory_space<vmem>> -> memref<128xi32, #tpu.memory_space<vmem>>
      %dma_start3A_398 = arith.constant 0 : i32
      %dma_start3A_399 = tpu.memref_slice %arg5[%dma_start3A_395, %dma_start3A_398] : memref<64x128xi32, #tpu.memory_space<vmem>> -> memref<1x128xi32, #tpu.memory_space<vmem>>
      %dma_start3A_400 = tpu.memref_squeeze %dma_start3A_399 : memref<1x128xi32, #tpu.memory_space<vmem>> -> memref<128xi32, #tpu.memory_space<vmem>>
      %dma_start3A_401 = arith.constant 0 : i32
      %dma_start3A_402 = tpu.memref_slice %arg3[%dma_start3A_401] : memref<33562624xi32, #tpu.memory_space<hbm>> -> memref<33562624xi32, #tpu.memory_space<hbm>>
      tpu.enqueue_indirect_dma source(%dma_start3A_397 : memref<128xi32, #tpu.memory_space<vmem>>) target(%dma_start3A_402 : memref<33562624xi32, #tpu.memory_space<hbm>>) offsets(%dma_start3A_400 : memref<128xi32, #tpu.memory_space<vmem>>) semaphore(%arg7 : memref<!tpu.dma_semaphore, #tpu.memory_space<semaphore_mem>>)
      %dma_wait3A_403 = arith.constant 16 : i32
      %dma_wait3A_404 = arith.constant 2048 : i32
      %dma_wait3A_405 = tpu.memref_slice %arg6[%dma_wait3A_404] : memref<8192xi32, #tpu.memory_space<vmem>> -> memref<128xi32, #tpu.memory_space<vmem>>
      %dma_wait3A_406 = arith.constant 0 : i32
      %dma_wait3A_407 = tpu.memref_slice %arg5[%dma_wait3A_403, %dma_wait3A_406] : memref<64x128xi32, #tpu.memory_space<vmem>> -> memref<1x128xi32, #tpu.memory_space<vmem>>
      %dma_wait3A_408 = tpu.memref_squeeze %dma_wait3A_407 : memref<1x128xi32, #tpu.memory_space<vmem>> -> memref<128xi32, #tpu.memory_space<vmem>>
      %dma_wait3A_409 = arith.constant 0 : i32
      %dma_wait3A_410 = tpu.memref_slice %arg3[%dma_wait3A_409] : memref<33562624xi32, #tpu.memory_space<hbm>> -> memref<33562624xi32, #tpu.memory_space<hbm>>
      tpu.wait_indirect_dma semaphore(%arg7 : memref<!tpu.dma_semaphore, #tpu.memory_space<semaphore_mem>>) src(%dma_wait3A_405 : memref<128xi32, #tpu.memory_space<vmem>>) dst(%dma_wait3A_410 : memref<33562624xi32, #tpu.memory_space<hbm>>)
      %dma_wait3A_411 = arith.constant 17 : i32
      %dma_wait3A_412 = arith.constant 2176 : i32
      %dma_wait3A_413 = tpu.memref_slice %arg6[%dma_wait3A_412] : memref<8192xi32, #tpu.memory_space<vmem>> -> memref<128xi32, #tpu.memory_space<vmem>>
      %dma_wait3A_414 = arith.constant 0 : i32
      %dma_wait3A_415 = tpu.memref_slice %arg5[%dma_wait3A_411, %dma_wait3A_414] : memref<64x128xi32, #tpu.memory_space<vmem>> -> memref<1x128xi32, #tpu.memory_space<vmem>>
      %dma_wait3A_416 = tpu.memref_squeeze %dma_wait3A_415 : memref<1x128xi32, #tpu.memory_space<vmem>> -> memref<128xi32, #tpu.memory_space<vmem>>
      %dma_wait3A_417 = arith.constant 0 : i32
      %dma_wait3A_418 = tpu.memref_slice %arg3[%dma_wait3A_417] : memref<33562624xi32, #tpu.memory_space<hbm>> -> memref<33562624xi32, #tpu.memory_space<hbm>>
      tpu.wait_indirect_dma semaphore(%arg7 : memref<!tpu.dma_semaphore, #tpu.memory_space<semaphore_mem>>) src(%dma_wait3A_413 : memref<128xi32, #tpu.memory_space<vmem>>) dst(%dma_wait3A_418 : memref<33562624xi32, #tpu.memory_space<hbm>>)
      %dma_wait3A_419 = arith.constant 18 : i32
      %dma_wait3A_420 = arith.constant 2304 : i32
      %dma_wait3A_421 = tpu.memref_slice %arg6[%dma_wait3A_420] : memref<8192xi32, #tpu.memory_space<vmem>> -> memref<128xi32, #tpu.memory_space<vmem>>
      %dma_wait3A_422 = arith.constant 0 : i32
      %dma_wait3A_423 = tpu.memref_slice %arg5[%dma_wait3A_419, %dma_wait3A_422] : memref<64x128xi32, #tpu.memory_space<vmem>> -> memref<1x128xi32, #tpu.memory_space<vmem>>
      %dma_wait3A_424 = tpu.memref_squeeze %dma_wait3A_423 : memref<1x128xi32, #tpu.memory_space<vmem>> -> memref<128xi32, #tpu.memory_space<vmem>>
      %dma_wait3A_425 = arith.constant 0 : i32
      %dma_wait3A_426 = tpu.memref_slice %arg3[%dma_wait3A_425] : memref<33562624xi32, #tpu.memory_space<hbm>> -> memref<33562624xi32, #tpu.memory_space<hbm>>
      tpu.wait_indirect_dma semaphore(%arg7 : memref<!tpu.dma_semaphore, #tpu.memory_space<semaphore_mem>>) src(%dma_wait3A_421 : memref<128xi32, #tpu.memory_space<vmem>>) dst(%dma_wait3A_426 : memref<33562624xi32, #tpu.memory_space<hbm>>)
      %dma_wait3A_427 = arith.constant 19 : i32
      %dma_wait3A_428 = arith.constant 2432 : i32
      %dma_wait3A_429 = tpu.memref_slice %arg6[%dma_wait3A_428] : memref<8192xi32, #tpu.memory_space<vmem>> -> memref<128xi32, #tpu.memory_space<vmem>>
      %dma_wait3A_430 = arith.constant 0 : i32
      %dma_wait3A_431 = tpu.memref_slice %arg5[%dma_wait3A_427, %dma_wait3A_430] : memref<64x128xi32, #tpu.memory_space<vmem>> -> memref<1x128xi32, #tpu.memory_space<vmem>>
      %dma_wait3A_432 = tpu.memref_squeeze %dma_wait3A_431 : memref<1x128xi32, #tpu.memory_space<vmem>> -> memref<128xi32, #tpu.memory_space<vmem>>
      %dma_wait3A_433 = arith.constant 0 : i32
      %dma_wait3A_434 = tpu.memref_slice %arg3[%dma_wait3A_433] : memref<33562624xi32, #tpu.memory_space<hbm>> -> memref<33562624xi32, #tpu.memory_space<hbm>>
      tpu.wait_indirect_dma semaphore(%arg7 : memref<!tpu.dma_semaphore, #tpu.memory_space<semaphore_mem>>) src(%dma_wait3A_429 : memref<128xi32, #tpu.memory_space<vmem>>) dst(%dma_wait3A_434 : memref<33562624xi32, #tpu.memory_space<hbm>>)
      %dma_wait3A_435 = arith.constant 20 : i32
      %dma_wait3A_436 = arith.constant 2560 : i32
      %dma_wait3A_437 = tpu.memref_slice %arg6[%dma_wait3A_436] : memref<8192xi32, #tpu.memory_space<vmem>> -> memref<128xi32, #tpu.memory_space<vmem>>
      %dma_wait3A_438 = arith.constant 0 : i32
      %dma_wait3A_439 = tpu.memref_slice %arg5[%dma_wait3A_435, %dma_wait3A_438] : memref<64x128xi32, #tpu.memory_space<vmem>> -> memref<1x128xi32, #tpu.memory_space<vmem>>
      %dma_wait3A_440 = tpu.memref_squeeze %dma_wait3A_439 : memref<1x128xi32, #tpu.memory_space<vmem>> -> memref<128xi32, #tpu.memory_space<vmem>>
      %dma_wait3A_441 = arith.constant 0 : i32
      %dma_wait3A_442 = tpu.memref_slice %arg3[%dma_wait3A_441] : memref<33562624xi32, #tpu.memory_space<hbm>> -> memref<33562624xi32, #tpu.memory_space<hbm>>
      tpu.wait_indirect_dma semaphore(%arg7 : memref<!tpu.dma_semaphore, #tpu.memory_space<semaphore_mem>>) src(%dma_wait3A_437 : memref<128xi32, #tpu.memory_space<vmem>>) dst(%dma_wait3A_442 : memref<33562624xi32, #tpu.memory_space<hbm>>)
      %dma_wait3A_443 = arith.constant 21 : i32
      %dma_wait3A_444 = arith.constant 2688 : i32
      %dma_wait3A_445 = tpu.memref_slice %arg6[%dma_wait3A_444] : memref<8192xi32, #tpu.memory_space<vmem>> -> memref<128xi32, #tpu.memory_space<vmem>>
      %dma_wait3A_446 = arith.constant 0 : i32
      %dma_wait3A_447 = tpu.memref_slice %arg5[%dma_wait3A_443, %dma_wait3A_446] : memref<64x128xi32, #tpu.memory_space<vmem>> -> memref<1x128xi32, #tpu.memory_space<vmem>>
      %dma_wait3A_448 = tpu.memref_squeeze %dma_wait3A_447 : memref<1x128xi32, #tpu.memory_space<vmem>> -> memref<128xi32, #tpu.memory_space<vmem>>
      %dma_wait3A_449 = arith.constant 0 : i32
      %dma_wait3A_450 = tpu.memref_slice %arg3[%dma_wait3A_449] : memref<33562624xi32, #tpu.memory_space<hbm>> -> memref<33562624xi32, #tpu.memory_space<hbm>>
      tpu.wait_indirect_dma semaphore(%arg7 : memref<!tpu.dma_semaphore, #tpu.memory_space<semaphore_mem>>) src(%dma_wait3A_445 : memref<128xi32, #tpu.memory_space<vmem>>) dst(%dma_wait3A_450 : memref<33562624xi32, #tpu.memory_space<hbm>>)
      %dma_wait3A_451 = arith.constant 22 : i32
      %dma_wait3A_452 = arith.constant 2816 : i32
      %dma_wait3A_453 = tpu.memref_slice %arg6[%dma_wait3A_452] : memref<8192xi32, #tpu.memory_space<vmem>> -> memref<128xi32, #tpu.memory_space<vmem>>
      %dma_wait3A_454 = arith.constant 0 : i32
      %dma_wait3A_455 = tpu.memref_slice %arg5[%dma_wait3A_451, %dma_wait3A_454] : memref<64x128xi32, #tpu.memory_space<vmem>> -> memref<1x128xi32, #tpu.memory_space<vmem>>
      %dma_wait3A_456 = tpu.memref_squeeze %dma_wait3A_455 : memref<1x128xi32, #tpu.memory_space<vmem>> -> memref<128xi32, #tpu.memory_space<vmem>>
      %dma_wait3A_457 = arith.constant 0 : i32
      %dma_wait3A_458 = tpu.memref_slice %arg3[%dma_wait3A_457] : memref<33562624xi32, #tpu.memory_space<hbm>> -> memref<33562624xi32, #tpu.memory_space<hbm>>
      tpu.wait_indirect_dma semaphore(%arg7 : memref<!tpu.dma_semaphore, #tpu.memory_space<semaphore_mem>>) src(%dma_wait3A_453 : memref<128xi32, #tpu.memory_space<vmem>>) dst(%dma_wait3A_458 : memref<33562624xi32, #tpu.memory_space<hbm>>)
      %dma_wait3A_459 = arith.constant 23 : i32
      %dma_wait3A_460 = arith.constant 2944 : i32
      %dma_wait3A_461 = tpu.memref_slice %arg6[%dma_wait3A_460] : memref<8192xi32, #tpu.memory_space<vmem>> -> memref<128xi32, #tpu.memory_space<vmem>>
      %dma_wait3A_462 = arith.constant 0 : i32
      %dma_wait3A_463 = tpu.memref_slice %arg5[%dma_wait3A_459, %dma_wait3A_462] : memref<64x128xi32, #tpu.memory_space<vmem>> -> memref<1x128xi32, #tpu.memory_space<vmem>>
      %dma_wait3A_464 = tpu.memref_squeeze %dma_wait3A_463 : memref<1x128xi32, #tpu.memory_space<vmem>> -> memref<128xi32, #tpu.memory_space<vmem>>
      %dma_wait3A_465 = arith.constant 0 : i32
      %dma_wait3A_466 = tpu.memref_slice %arg3[%dma_wait3A_465] : memref<33562624xi32, #tpu.memory_space<hbm>> -> memref<33562624xi32, #tpu.memory_space<hbm>>
      tpu.wait_indirect_dma semaphore(%arg7 : memref<!tpu.dma_semaphore, #tpu.memory_space<semaphore_mem>>) src(%dma_wait3A_461 : memref<128xi32, #tpu.memory_space<vmem>>) dst(%dma_wait3A_466 : memref<33562624xi32, #tpu.memory_space<hbm>>)
      %dma_wait3A_467 = arith.constant 24 : i32
      %dma_wait3A_468 = arith.constant 3072 : i32
      %dma_wait3A_469 = tpu.memref_slice %arg6[%dma_wait3A_468] : memref<8192xi32, #tpu.memory_space<vmem>> -> memref<128xi32, #tpu.memory_space<vmem>>
      %dma_wait3A_470 = arith.constant 0 : i32
      %dma_wait3A_471 = tpu.memref_slice %arg5[%dma_wait3A_467, %dma_wait3A_470] : memref<64x128xi32, #tpu.memory_space<vmem>> -> memref<1x128xi32, #tpu.memory_space<vmem>>
      %dma_wait3A_472 = tpu.memref_squeeze %dma_wait3A_471 : memref<1x128xi32, #tpu.memory_space<vmem>> -> memref<128xi32, #tpu.memory_space<vmem>>
      %dma_wait3A_473 = arith.constant 0 : i32
      %dma_wait3A_474 = tpu.memref_slice %arg3[%dma_wait3A_473] : memref<33562624xi32, #tpu.memory_space<hbm>> -> memref<33562624xi32, #tpu.memory_space<hbm>>
      tpu.wait_indirect_dma semaphore(%arg7 : memref<!tpu.dma_semaphore, #tpu.memory_space<semaphore_mem>>) src(%dma_wait3A_469 : memref<128xi32, #tpu.memory_space<vmem>>) dst(%dma_wait3A_474 : memref<33562624xi32, #tpu.memory_space<hbm>>)
      %dma_wait3A_475 = arith.constant 25 : i32
      %dma_wait3A_476 = arith.constant 3200 : i32
      %dma_wait3A_477 = tpu.memref_slice %arg6[%dma_wait3A_476] : memref<8192xi32, #tpu.memory_space<vmem>> -> memref<128xi32, #tpu.memory_space<vmem>>
      %dma_wait3A_478 = arith.constant 0 : i32
      %dma_wait3A_479 = tpu.memref_slice %arg5[%dma_wait3A_475, %dma_wait3A_478] : memref<64x128xi32, #tpu.memory_space<vmem>> -> memref<1x128xi32, #tpu.memory_space<vmem>>
      %dma_wait3A_480 = tpu.memref_squeeze %dma_wait3A_479 : memref<1x128xi32, #tpu.memory_space<vmem>> -> memref<128xi32, #tpu.memory_space<vmem>>
      %dma_wait3A_481 = arith.constant 0 : i32
      %dma_wait3A_482 = tpu.memref_slice %arg3[%dma_wait3A_481] : memref<33562624xi32, #tpu.memory_space<hbm>> -> memref<33562624xi32, #tpu.memory_space<hbm>>
      tpu.wait_indirect_dma semaphore(%arg7 : memref<!tpu.dma_semaphore, #tpu.memory_space<semaphore_mem>>) src(%dma_wait3A_477 : memref<128xi32, #tpu.memory_space<vmem>>) dst(%dma_wait3A_482 : memref<33562624xi32, #tpu.memory_space<hbm>>)
      %dma_wait3A_483 = arith.constant 26 : i32
      %dma_wait3A_484 = arith.constant 3328 : i32
      %dma_wait3A_485 = tpu.memref_slice %arg6[%dma_wait3A_484] : memref<8192xi32, #tpu.memory_space<vmem>> -> memref<128xi32, #tpu.memory_space<vmem>>
      %dma_wait3A_486 = arith.constant 0 : i32
      %dma_wait3A_487 = tpu.memref_slice %arg5[%dma_wait3A_483, %dma_wait3A_486] : memref<64x128xi32, #tpu.memory_space<vmem>> -> memref<1x128xi32, #tpu.memory_space<vmem>>
      %dma_wait3A_488 = tpu.memref_squeeze %dma_wait3A_487 : memref<1x128xi32, #tpu.memory_space<vmem>> -> memref<128xi32, #tpu.memory_space<vmem>>
      %dma_wait3A_489 = arith.constant 0 : i32
      %dma_wait3A_490 = tpu.memref_slice %arg3[%dma_wait3A_489] : memref<33562624xi32, #tpu.memory_space<hbm>> -> memref<33562624xi32, #tpu.memory_space<hbm>>
      tpu.wait_indirect_dma semaphore(%arg7 : memref<!tpu.dma_semaphore, #tpu.memory_space<semaphore_mem>>) src(%dma_wait3A_485 : memref<128xi32, #tpu.memory_space<vmem>>) dst(%dma_wait3A_490 : memref<33562624xi32, #tpu.memory_space<hbm>>)
      %dma_wait3A_491 = arith.constant 27 : i32
      %dma_wait3A_492 = arith.constant 3456 : i32
      %dma_wait3A_493 = tpu.memref_slice %arg6[%dma_wait3A_492] : memref<8192xi32, #tpu.memory_space<vmem>> -> memref<128xi32, #tpu.memory_space<vmem>>
      %dma_wait3A_494 = arith.constant 0 : i32
      %dma_wait3A_495 = tpu.memref_slice %arg5[%dma_wait3A_491, %dma_wait3A_494] : memref<64x128xi32, #tpu.memory_space<vmem>> -> memref<1x128xi32, #tpu.memory_space<vmem>>
      %dma_wait3A_496 = tpu.memref_squeeze %dma_wait3A_495 : memref<1x128xi32, #tpu.memory_space<vmem>> -> memref<128xi32, #tpu.memory_space<vmem>>
      %dma_wait3A_497 = arith.constant 0 : i32
      %dma_wait3A_498 = tpu.memref_slice %arg3[%dma_wait3A_497] : memref<33562624xi32, #tpu.memory_space<hbm>> -> memref<33562624xi32, #tpu.memory_space<hbm>>
      tpu.wait_indirect_dma semaphore(%arg7 : memref<!tpu.dma_semaphore, #tpu.memory_space<semaphore_mem>>) src(%dma_wait3A_493 : memref<128xi32, #tpu.memory_space<vmem>>) dst(%dma_wait3A_498 : memref<33562624xi32, #tpu.memory_space<hbm>>)
      %dma_wait3A_499 = arith.constant 28 : i32
      %dma_wait3A_500 = arith.constant 3584 : i32
      %dma_wait3A_501 = tpu.memref_slice %arg6[%dma_wait3A_500] : memref<8192xi32, #tpu.memory_space<vmem>> -> memref<128xi32, #tpu.memory_space<vmem>>
      %dma_wait3A_502 = arith.constant 0 : i32
      %dma_wait3A_503 = tpu.memref_slice %arg5[%dma_wait3A_499, %dma_wait3A_502] : memref<64x128xi32, #tpu.memory_space<vmem>> -> memref<1x128xi32, #tpu.memory_space<vmem>>
      %dma_wait3A_504 = tpu.memref_squeeze %dma_wait3A_503 : memref<1x128xi32, #tpu.memory_space<vmem>> -> memref<128xi32, #tpu.memory_space<vmem>>
      %dma_wait3A_505 = arith.constant 0 : i32
      %dma_wait3A_506 = tpu.memref_slice %arg3[%dma_wait3A_505] : memref<33562624xi32, #tpu.memory_space<hbm>> -> memref<33562624xi32, #tpu.memory_space<hbm>>
      tpu.wait_indirect_dma semaphore(%arg7 : memref<!tpu.dma_semaphore, #tpu.memory_space<semaphore_mem>>) src(%dma_wait3A_501 : memref<128xi32, #tpu.memory_space<vmem>>) dst(%dma_wait3A_506 : memref<33562624xi32, #tpu.memory_space<hbm>>)
      %dma_wait3A_507 = arith.constant 29 : i32
      %dma_wait3A_508 = arith.constant 3712 : i32
      %dma_wait3A_509 = tpu.memref_slice %arg6[%dma_wait3A_508] : memref<8192xi32, #tpu.memory_space<vmem>> -> memref<128xi32, #tpu.memory_space<vmem>>
      %dma_wait3A_510 = arith.constant 0 : i32
      %dma_wait3A_511 = tpu.memref_slice %arg5[%dma_wait3A_507, %dma_wait3A_510] : memref<64x128xi32, #tpu.memory_space<vmem>> -> memref<1x128xi32, #tpu.memory_space<vmem>>
      %dma_wait3A_512 = tpu.memref_squeeze %dma_wait3A_511 : memref<1x128xi32, #tpu.memory_space<vmem>> -> memref<128xi32, #tpu.memory_space<vmem>>
      %dma_wait3A_513 = arith.constant 0 : i32
      %dma_wait3A_514 = tpu.memref_slice %arg3[%dma_wait3A_513] : memref<33562624xi32, #tpu.memory_space<hbm>> -> memref<33562624xi32, #tpu.memory_space<hbm>>
      tpu.wait_indirect_dma semaphore(%arg7 : memref<!tpu.dma_semaphore, #tpu.memory_space<semaphore_mem>>) src(%dma_wait3A_509 : memref<128xi32, #tpu.memory_space<vmem>>) dst(%dma_wait3A_514 : memref<33562624xi32, #tpu.memory_space<hbm>>)
      %dma_wait3A_515 = arith.constant 30 : i32
      %dma_wait3A_516 = arith.constant 3840 : i32
      %dma_wait3A_517 = tpu.memref_slice %arg6[%dma_wait3A_516] : memref<8192xi32, #tpu.memory_space<vmem>> -> memref<128xi32, #tpu.memory_space<vmem>>
      %dma_wait3A_518 = arith.constant 0 : i32
      %dma_wait3A_519 = tpu.memref_slice %arg5[%dma_wait3A_515, %dma_wait3A_518] : memref<64x128xi32, #tpu.memory_space<vmem>> -> memref<1x128xi32, #tpu.memory_space<vmem>>
      %dma_wait3A_520 = tpu.memref_squeeze %dma_wait3A_519 : memref<1x128xi32, #tpu.memory_space<vmem>> -> memref<128xi32, #tpu.memory_space<vmem>>
      %dma_wait3A_521 = arith.constant 0 : i32
      %dma_wait3A_522 = tpu.memref_slice %arg3[%dma_wait3A_521] : memref<33562624xi32, #tpu.memory_space<hbm>> -> memref<33562624xi32, #tpu.memory_space<hbm>>
      tpu.wait_indirect_dma semaphore(%arg7 : memref<!tpu.dma_semaphore, #tpu.memory_space<semaphore_mem>>) src(%dma_wait3A_517 : memref<128xi32, #tpu.memory_space<vmem>>) dst(%dma_wait3A_522 : memref<33562624xi32, #tpu.memory_space<hbm>>)
      %dma_wait3A_523 = arith.constant 31 : i32
      %dma_wait3A_524 = arith.constant 3968 : i32
      %dma_wait3A_525 = tpu.memref_slice %arg6[%dma_wait3A_524] : memref<8192xi32, #tpu.memory_space<vmem>> -> memref<128xi32, #tpu.memory_space<vmem>>
      %dma_wait3A_526 = arith.constant 0 : i32
      %dma_wait3A_527 = tpu.memref_slice %arg5[%dma_wait3A_523, %dma_wait3A_526] : memref<64x128xi32, #tpu.memory_space<vmem>> -> memref<1x128xi32, #tpu.memory_space<vmem>>
      %dma_wait3A_528 = tpu.memref_squeeze %dma_wait3A_527 : memref<1x128xi32, #tpu.memory_space<vmem>> -> memref<128xi32, #tpu.memory_space<vmem>>
      %dma_wait3A_529 = arith.constant 0 : i32
      %dma_wait3A_530 = tpu.memref_slice %arg3[%dma_wait3A_529] : memref<33562624xi32, #tpu.memory_space<hbm>> -> memref<33562624xi32, #tpu.memory_space<hbm>>
      tpu.wait_indirect_dma semaphore(%arg7 : memref<!tpu.dma_semaphore, #tpu.memory_space<semaphore_mem>>) src(%dma_wait3A_525 : memref<128xi32, #tpu.memory_space<vmem>>) dst(%dma_wait3A_530 : memref<33562624xi32, #tpu.memory_space<hbm>>)
      %dma_start3A_531 = arith.constant 32 : i32
      %dma_start3A_532 = arith.constant 4096 : i32
      %dma_start3A_533 = tpu.memref_slice %arg6[%dma_start3A_532] : memref<8192xi32, #tpu.memory_space<vmem>> -> memref<128xi32, #tpu.memory_space<vmem>>
      %dma_start3A_534 = arith.constant 0 : i32
      %dma_start3A_535 = tpu.memref_slice %arg5[%dma_start3A_531, %dma_start3A_534] : memref<64x128xi32, #tpu.memory_space<vmem>> -> memref<1x128xi32, #tpu.memory_space<vmem>>
      %dma_start3A_536 = tpu.memref_squeeze %dma_start3A_535 : memref<1x128xi32, #tpu.memory_space<vmem>> -> memref<128xi32, #tpu.memory_space<vmem>>
      %dma_start3A_537 = arith.constant 0 : i32
      %dma_start3A_538 = tpu.memref_slice %arg3[%dma_start3A_537] : memref<33562624xi32, #tpu.memory_space<hbm>> -> memref<33562624xi32, #tpu.memory_space<hbm>>
      tpu.enqueue_indirect_dma source(%dma_start3A_533 : memref<128xi32, #tpu.memory_space<vmem>>) target(%dma_start3A_538 : memref<33562624xi32, #tpu.memory_space<hbm>>) offsets(%dma_start3A_536 : memref<128xi32, #tpu.memory_space<vmem>>) semaphore(%arg7 : memref<!tpu.dma_semaphore, #tpu.memory_space<semaphore_mem>>)
      %dma_start3A_539 = arith.constant 33 : i32
      %dma_start3A_540 = arith.constant 4224 : i32
      %dma_start3A_541 = tpu.memref_slice %arg6[%dma_start3A_540] : memref<8192xi32, #tpu.memory_space<vmem>> -> memref<128xi32, #tpu.memory_space<vmem>>
      %dma_start3A_542 = arith.constant 0 : i32
      %dma_start3A_543 = tpu.memref_slice %arg5[%dma_start3A_539, %dma_start3A_542] : memref<64x128xi32, #tpu.memory_space<vmem>> -> memref<1x128xi32, #tpu.memory_space<vmem>>
      %dma_start3A_544 = tpu.memref_squeeze %dma_start3A_543 : memref<1x128xi32, #tpu.memory_space<vmem>> -> memref<128xi32, #tpu.memory_space<vmem>>
      %dma_start3A_545 = arith.constant 0 : i32
      %dma_start3A_546 = tpu.memref_slice %arg3[%dma_start3A_545] : memref<33562624xi32, #tpu.memory_space<hbm>> -> memref<33562624xi32, #tpu.memory_space<hbm>>
      tpu.enqueue_indirect_dma source(%dma_start3A_541 : memref<128xi32, #tpu.memory_space<vmem>>) target(%dma_start3A_546 : memref<33562624xi32, #tpu.memory_space<hbm>>) offsets(%dma_start3A_544 : memref<128xi32, #tpu.memory_space<vmem>>) semaphore(%arg7 : memref<!tpu.dma_semaphore, #tpu.memory_space<semaphore_mem>>)
      %dma_start3A_547 = arith.constant 34 : i32
      %dma_start3A_548 = arith.constant 4352 : i32
      %dma_start3A_549 = tpu.memref_slice %arg6[%dma_start3A_548] : memref<8192xi32, #tpu.memory_space<vmem>> -> memref<128xi32, #tpu.memory_space<vmem>>
      %dma_start3A_550 = arith.constant 0 : i32
      %dma_start3A_551 = tpu.memref_slice %arg5[%dma_start3A_547, %dma_start3A_550] : memref<64x128xi32, #tpu.memory_space<vmem>> -> memref<1x128xi32, #tpu.memory_space<vmem>>
      %dma_start3A_552 = tpu.memref_squeeze %dma_start3A_551 : memref<1x128xi32, #tpu.memory_space<vmem>> -> memref<128xi32, #tpu.memory_space<vmem>>
      %dma_start3A_553 = arith.constant 0 : i32
      %dma_start3A_554 = tpu.memref_slice %arg3[%dma_start3A_553] : memref<33562624xi32, #tpu.memory_space<hbm>> -> memref<33562624xi32, #tpu.memory_space<hbm>>
      tpu.enqueue_indirect_dma source(%dma_start3A_549 : memref<128xi32, #tpu.memory_space<vmem>>) target(%dma_start3A_554 : memref<33562624xi32, #tpu.memory_space<hbm>>) offsets(%dma_start3A_552 : memref<128xi32, #tpu.memory_space<vmem>>) semaphore(%arg7 : memref<!tpu.dma_semaphore, #tpu.memory_space<semaphore_mem>>)
      %dma_start3A_555 = arith.constant 35 : i32
      %dma_start3A_556 = arith.constant 4480 : i32
      %dma_start3A_557 = tpu.memref_slice %arg6[%dma_start3A_556] : memref<8192xi32, #tpu.memory_space<vmem>> -> memref<128xi32, #tpu.memory_space<vmem>>
      %dma_start3A_558 = arith.constant 0 : i32
      %dma_start3A_559 = tpu.memref_slice %arg5[%dma_start3A_555, %dma_start3A_558] : memref<64x128xi32, #tpu.memory_space<vmem>> -> memref<1x128xi32, #tpu.memory_space<vmem>>
      %dma_start3A_560 = tpu.memref_squeeze %dma_start3A_559 : memref<1x128xi32, #tpu.memory_space<vmem>> -> memref<128xi32, #tpu.memory_space<vmem>>
      %dma_start3A_561 = arith.constant 0 : i32
      %dma_start3A_562 = tpu.memref_slice %arg3[%dma_start3A_561] : memref<33562624xi32, #tpu.memory_space<hbm>> -> memref<33562624xi32, #tpu.memory_space<hbm>>
      tpu.enqueue_indirect_dma source(%dma_start3A_557 : memref<128xi32, #tpu.memory_space<vmem>>) target(%dma_start3A_562 : memref<33562624xi32, #tpu.memory_space<hbm>>) offsets(%dma_start3A_560 : memref<128xi32, #tpu.memory_space<vmem>>) semaphore(%arg7 : memref<!tpu.dma_semaphore, #tpu.memory_space<semaphore_mem>>)
      %dma_start3A_563 = arith.constant 36 : i32
      %dma_start3A_564 = arith.constant 4608 : i32
      %dma_start3A_565 = tpu.memref_slice %arg6[%dma_start3A_564] : memref<8192xi32, #tpu.memory_space<vmem>> -> memref<128xi32, #tpu.memory_space<vmem>>
      %dma_start3A_566 = arith.constant 0 : i32
      %dma_start3A_567 = tpu.memref_slice %arg5[%dma_start3A_563, %dma_start3A_566] : memref<64x128xi32, #tpu.memory_space<vmem>> -> memref<1x128xi32, #tpu.memory_space<vmem>>
      %dma_start3A_568 = tpu.memref_squeeze %dma_start3A_567 : memref<1x128xi32, #tpu.memory_space<vmem>> -> memref<128xi32, #tpu.memory_space<vmem>>
      %dma_start3A_569 = arith.constant 0 : i32
      %dma_start3A_570 = tpu.memref_slice %arg3[%dma_start3A_569] : memref<33562624xi32, #tpu.memory_space<hbm>> -> memref<33562624xi32, #tpu.memory_space<hbm>>
      tpu.enqueue_indirect_dma source(%dma_start3A_565 : memref<128xi32, #tpu.memory_space<vmem>>) target(%dma_start3A_570 : memref<33562624xi32, #tpu.memory_space<hbm>>) offsets(%dma_start3A_568 : memref<128xi32, #tpu.memory_space<vmem>>) semaphore(%arg7 : memref<!tpu.dma_semaphore, #tpu.memory_space<semaphore_mem>>)
      %dma_start3A_571 = arith.constant 37 : i32
      %dma_start3A_572 = arith.constant 4736 : i32
      %dma_start3A_573 = tpu.memref_slice %arg6[%dma_start3A_572] : memref<8192xi32, #tpu.memory_space<vmem>> -> memref<128xi32, #tpu.memory_space<vmem>>
      %dma_start3A_574 = arith.constant 0 : i32
      %dma_start3A_575 = tpu.memref_slice %arg5[%dma_start3A_571, %dma_start3A_574] : memref<64x128xi32, #tpu.memory_space<vmem>> -> memref<1x128xi32, #tpu.memory_space<vmem>>
      %dma_start3A_576 = tpu.memref_squeeze %dma_start3A_575 : memref<1x128xi32, #tpu.memory_space<vmem>> -> memref<128xi32, #tpu.memory_space<vmem>>
      %dma_start3A_577 = arith.constant 0 : i32
      %dma_start3A_578 = tpu.memref_slice %arg3[%dma_start3A_577] : memref<33562624xi32, #tpu.memory_space<hbm>> -> memref<33562624xi32, #tpu.memory_space<hbm>>
      tpu.enqueue_indirect_dma source(%dma_start3A_573 : memref<128xi32, #tpu.memory_space<vmem>>) target(%dma_start3A_578 : memref<33562624xi32, #tpu.memory_space<hbm>>) offsets(%dma_start3A_576 : memref<128xi32, #tpu.memory_space<vmem>>) semaphore(%arg7 : memref<!tpu.dma_semaphore, #tpu.memory_space<semaphore_mem>>)
      %dma_start3A_579 = arith.constant 38 : i32
      %dma_start3A_580 = arith.constant 4864 : i32
      %dma_start3A_581 = tpu.memref_slice %arg6[%dma_start3A_580] : memref<8192xi32, #tpu.memory_space<vmem>> -> memref<128xi32, #tpu.memory_space<vmem>>
      %dma_start3A_582 = arith.constant 0 : i32
      %dma_start3A_583 = tpu.memref_slice %arg5[%dma_start3A_579, %dma_start3A_582] : memref<64x128xi32, #tpu.memory_space<vmem>> -> memref<1x128xi32, #tpu.memory_space<vmem>>
      %dma_start3A_584 = tpu.memref_squeeze %dma_start3A_583 : memref<1x128xi32, #tpu.memory_space<vmem>> -> memref<128xi32, #tpu.memory_space<vmem>>
      %dma_start3A_585 = arith.constant 0 : i32
      %dma_start3A_586 = tpu.memref_slice %arg3[%dma_start3A_585] : memref<33562624xi32, #tpu.memory_space<hbm>> -> memref<33562624xi32, #tpu.memory_space<hbm>>
      tpu.enqueue_indirect_dma source(%dma_start3A_581 : memref<128xi32, #tpu.memory_space<vmem>>) target(%dma_start3A_586 : memref<33562624xi32, #tpu.memory_space<hbm>>) offsets(%dma_start3A_584 : memref<128xi32, #tpu.memory_space<vmem>>) semaphore(%arg7 : memref<!tpu.dma_semaphore, #tpu.memory_space<semaphore_mem>>)
      %dma_start3A_587 = arith.constant 39 : i32
      %dma_start3A_588 = arith.constant 4992 : i32
      %dma_start3A_589 = tpu.memref_slice %arg6[%dma_start3A_588] : memref<8192xi32, #tpu.memory_space<vmem>> -> memref<128xi32, #tpu.memory_space<vmem>>
      %dma_start3A_590 = arith.constant 0 : i32
      %dma_start3A_591 = tpu.memref_slice %arg5[%dma_start3A_587, %dma_start3A_590] : memref<64x128xi32, #tpu.memory_space<vmem>> -> memref<1x128xi32, #tpu.memory_space<vmem>>
      %dma_start3A_592 = tpu.memref_squeeze %dma_start3A_591 : memref<1x128xi32, #tpu.memory_space<vmem>> -> memref<128xi32, #tpu.memory_space<vmem>>
      %dma_start3A_593 = arith.constant 0 : i32
      %dma_start3A_594 = tpu.memref_slice %arg3[%dma_start3A_593] : memref<33562624xi32, #tpu.memory_space<hbm>> -> memref<33562624xi32, #tpu.memory_space<hbm>>
      tpu.enqueue_indirect_dma source(%dma_start3A_589 : memref<128xi32, #tpu.memory_space<vmem>>) target(%dma_start3A_594 : memref<33562624xi32, #tpu.memory_space<hbm>>) offsets(%dma_start3A_592 : memref<128xi32, #tpu.memory_space<vmem>>) semaphore(%arg7 : memref<!tpu.dma_semaphore, #tpu.memory_space<semaphore_mem>>)
      %dma_start3A_595 = arith.constant 40 : i32
      %dma_start3A_596 = arith.constant 5120 : i32
      %dma_start3A_597 = tpu.memref_slice %arg6[%dma_start3A_596] : memref<8192xi32, #tpu.memory_space<vmem>> -> memref<128xi32, #tpu.memory_space<vmem>>
      %dma_start3A_598 = arith.constant 0 : i32
      %dma_start3A_599 = tpu.memref_slice %arg5[%dma_start3A_595, %dma_start3A_598] : memref<64x128xi32, #tpu.memory_space<vmem>> -> memref<1x128xi32, #tpu.memory_space<vmem>>
      %dma_start3A_600 = tpu.memref_squeeze %dma_start3A_599 : memref<1x128xi32, #tpu.memory_space<vmem>> -> memref<128xi32, #tpu.memory_space<vmem>>
      %dma_start3A_601 = arith.constant 0 : i32
      %dma_start3A_602 = tpu.memref_slice %arg3[%dma_start3A_601] : memref<33562624xi32, #tpu.memory_space<hbm>> -> memref<33562624xi32, #tpu.memory_space<hbm>>
      tpu.enqueue_indirect_dma source(%dma_start3A_597 : memref<128xi32, #tpu.memory_space<vmem>>) target(%dma_start3A_602 : memref<33562624xi32, #tpu.memory_space<hbm>>) offsets(%dma_start3A_600 : memref<128xi32, #tpu.memory_space<vmem>>) semaphore(%arg7 : memref<!tpu.dma_semaphore, #tpu.memory_space<semaphore_mem>>)
      %dma_start3A_603 = arith.constant 41 : i32
      %dma_start3A_604 = arith.constant 5248 : i32
      %dma_start3A_605 = tpu.memref_slice %arg6[%dma_start3A_604] : memref<8192xi32, #tpu.memory_space<vmem>> -> memref<128xi32, #tpu.memory_space<vmem>>
      %dma_start3A_606 = arith.constant 0 : i32
      %dma_start3A_607 = tpu.memref_slice %arg5[%dma_start3A_603, %dma_start3A_606] : memref<64x128xi32, #tpu.memory_space<vmem>> -> memref<1x128xi32, #tpu.memory_space<vmem>>
      %dma_start3A_608 = tpu.memref_squeeze %dma_start3A_607 : memref<1x128xi32, #tpu.memory_space<vmem>> -> memref<128xi32, #tpu.memory_space<vmem>>
      %dma_start3A_609 = arith.constant 0 : i32
      %dma_start3A_610 = tpu.memref_slice %arg3[%dma_start3A_609] : memref<33562624xi32, #tpu.memory_space<hbm>> -> memref<33562624xi32, #tpu.memory_space<hbm>>
      tpu.enqueue_indirect_dma source(%dma_start3A_605 : memref<128xi32, #tpu.memory_space<vmem>>) target(%dma_start3A_610 : memref<33562624xi32, #tpu.memory_space<hbm>>) offsets(%dma_start3A_608 : memref<128xi32, #tpu.memory_space<vmem>>) semaphore(%arg7 : memref<!tpu.dma_semaphore, #tpu.memory_space<semaphore_mem>>)
      %dma_start3A_611 = arith.constant 42 : i32
      %dma_start3A_612 = arith.constant 5376 : i32
      %dma_start3A_613 = tpu.memref_slice %arg6[%dma_start3A_612] : memref<8192xi32, #tpu.memory_space<vmem>> -> memref<128xi32, #tpu.memory_space<vmem>>
      %dma_start3A_614 = arith.constant 0 : i32
      %dma_start3A_615 = tpu.memref_slice %arg5[%dma_start3A_611, %dma_start3A_614] : memref<64x128xi32, #tpu.memory_space<vmem>> -> memref<1x128xi32, #tpu.memory_space<vmem>>
      %dma_start3A_616 = tpu.memref_squeeze %dma_start3A_615 : memref<1x128xi32, #tpu.memory_space<vmem>> -> memref<128xi32, #tpu.memory_space<vmem>>
      %dma_start3A_617 = arith.constant 0 : i32
      %dma_start3A_618 = tpu.memref_slice %arg3[%dma_start3A_617] : memref<33562624xi32, #tpu.memory_space<hbm>> -> memref<33562624xi32, #tpu.memory_space<hbm>>
      tpu.enqueue_indirect_dma source(%dma_start3A_613 : memref<128xi32, #tpu.memory_space<vmem>>) target(%dma_start3A_618 : memref<33562624xi32, #tpu.memory_space<hbm>>) offsets(%dma_start3A_616 : memref<128xi32, #tpu.memory_space<vmem>>) semaphore(%arg7 : memref<!tpu.dma_semaphore, #tpu.memory_space<semaphore_mem>>)
      %dma_start3A_619 = arith.constant 43 : i32
      %dma_start3A_620 = arith.constant 5504 : i32
      %dma_start3A_621 = tpu.memref_slice %arg6[%dma_start3A_620] : memref<8192xi32, #tpu.memory_space<vmem>> -> memref<128xi32, #tpu.memory_space<vmem>>
      %dma_start3A_622 = arith.constant 0 : i32
      %dma_start3A_623 = tpu.memref_slice %arg5[%dma_start3A_619, %dma_start3A_622] : memref<64x128xi32, #tpu.memory_space<vmem>> -> memref<1x128xi32, #tpu.memory_space<vmem>>
      %dma_start3A_624 = tpu.memref_squeeze %dma_start3A_623 : memref<1x128xi32, #tpu.memory_space<vmem>> -> memref<128xi32, #tpu.memory_space<vmem>>
      %dma_start3A_625 = arith.constant 0 : i32
      %dma_start3A_626 = tpu.memref_slice %arg3[%dma_start3A_625] : memref<33562624xi32, #tpu.memory_space<hbm>> -> memref<33562624xi32, #tpu.memory_space<hbm>>
      tpu.enqueue_indirect_dma source(%dma_start3A_621 : memref<128xi32, #tpu.memory_space<vmem>>) target(%dma_start3A_626 : memref<33562624xi32, #tpu.memory_space<hbm>>) offsets(%dma_start3A_624 : memref<128xi32, #tpu.memory_space<vmem>>) semaphore(%arg7 : memref<!tpu.dma_semaphore, #tpu.memory_space<semaphore_mem>>)
      %dma_start3A_627 = arith.constant 44 : i32
      %dma_start3A_628 = arith.constant 5632 : i32
      %dma_start3A_629 = tpu.memref_slice %arg6[%dma_start3A_628] : memref<8192xi32, #tpu.memory_space<vmem>> -> memref<128xi32, #tpu.memory_space<vmem>>
      %dma_start3A_630 = arith.constant 0 : i32
      %dma_start3A_631 = tpu.memref_slice %arg5[%dma_start3A_627, %dma_start3A_630] : memref<64x128xi32, #tpu.memory_space<vmem>> -> memref<1x128xi32, #tpu.memory_space<vmem>>
      %dma_start3A_632 = tpu.memref_squeeze %dma_start3A_631 : memref<1x128xi32, #tpu.memory_space<vmem>> -> memref<128xi32, #tpu.memory_space<vmem>>
      %dma_start3A_633 = arith.constant 0 : i32
      %dma_start3A_634 = tpu.memref_slice %arg3[%dma_start3A_633] : memref<33562624xi32, #tpu.memory_space<hbm>> -> memref<33562624xi32, #tpu.memory_space<hbm>>
      tpu.enqueue_indirect_dma source(%dma_start3A_629 : memref<128xi32, #tpu.memory_space<vmem>>) target(%dma_start3A_634 : memref<33562624xi32, #tpu.memory_space<hbm>>) offsets(%dma_start3A_632 : memref<128xi32, #tpu.memory_space<vmem>>) semaphore(%arg7 : memref<!tpu.dma_semaphore, #tpu.memory_space<semaphore_mem>>)
      %dma_start3A_635 = arith.constant 45 : i32
      %dma_start3A_636 = arith.constant 5760 : i32
      %dma_start3A_637 = tpu.memref_slice %arg6[%dma_start3A_636] : memref<8192xi32, #tpu.memory_space<vmem>> -> memref<128xi32, #tpu.memory_space<vmem>>
      %dma_start3A_638 = arith.constant 0 : i32
      %dma_start3A_639 = tpu.memref_slice %arg5[%dma_start3A_635, %dma_start3A_638] : memref<64x128xi32, #tpu.memory_space<vmem>> -> memref<1x128xi32, #tpu.memory_space<vmem>>
      %dma_start3A_640 = tpu.memref_squeeze %dma_start3A_639 : memref<1x128xi32, #tpu.memory_space<vmem>> -> memref<128xi32, #tpu.memory_space<vmem>>
      %dma_start3A_641 = arith.constant 0 : i32
      %dma_start3A_642 = tpu.memref_slice %arg3[%dma_start3A_641] : memref<33562624xi32, #tpu.memory_space<hbm>> -> memref<33562624xi32, #tpu.memory_space<hbm>>
      tpu.enqueue_indirect_dma source(%dma_start3A_637 : memref<128xi32, #tpu.memory_space<vmem>>) target(%dma_start3A_642 : memref<33562624xi32, #tpu.memory_space<hbm>>) offsets(%dma_start3A_640 : memref<128xi32, #tpu.memory_space<vmem>>) semaphore(%arg7 : memref<!tpu.dma_semaphore, #tpu.memory_space<semaphore_mem>>)
      %dma_start3A_643 = arith.constant 46 : i32
      %dma_start3A_644 = arith.constant 5888 : i32
      %dma_start3A_645 = tpu.memref_slice %arg6[%dma_start3A_644] : memref<8192xi32, #tpu.memory_space<vmem>> -> memref<128xi32, #tpu.memory_space<vmem>>
      %dma_start3A_646 = arith.constant 0 : i32
      %dma_start3A_647 = tpu.memref_slice %arg5[%dma_start3A_643, %dma_start3A_646] : memref<64x128xi32, #tpu.memory_space<vmem>> -> memref<1x128xi32, #tpu.memory_space<vmem>>
      %dma_start3A_648 = tpu.memref_squeeze %dma_start3A_647 : memref<1x128xi32, #tpu.memory_space<vmem>> -> memref<128xi32, #tpu.memory_space<vmem>>
      %dma_start3A_649 = arith.constant 0 : i32
      %dma_start3A_650 = tpu.memref_slice %arg3[%dma_start3A_649] : memref<33562624xi32, #tpu.memory_space<hbm>> -> memref<33562624xi32, #tpu.memory_space<hbm>>
      tpu.enqueue_indirect_dma source(%dma_start3A_645 : memref<128xi32, #tpu.memory_space<vmem>>) target(%dma_start3A_650 : memref<33562624xi32, #tpu.memory_space<hbm>>) offsets(%dma_start3A_648 : memref<128xi32, #tpu.memory_space<vmem>>) semaphore(%arg7 : memref<!tpu.dma_semaphore, #tpu.memory_space<semaphore_mem>>)
      %dma_start3A_651 = arith.constant 47 : i32
      %dma_start3A_652 = arith.constant 6016 : i32
      %dma_start3A_653 = tpu.memref_slice %arg6[%dma_start3A_652] : memref<8192xi32, #tpu.memory_space<vmem>> -> memref<128xi32, #tpu.memory_space<vmem>>
      %dma_start3A_654 = arith.constant 0 : i32
      %dma_start3A_655 = tpu.memref_slice %arg5[%dma_start3A_651, %dma_start3A_654] : memref<64x128xi32, #tpu.memory_space<vmem>> -> memref<1x128xi32, #tpu.memory_space<vmem>>
      %dma_start3A_656 = tpu.memref_squeeze %dma_start3A_655 : memref<1x128xi32, #tpu.memory_space<vmem>> -> memref<128xi32, #tpu.memory_space<vmem>>
      %dma_start3A_657 = arith.constant 0 : i32
      %dma_start3A_658 = tpu.memref_slice %arg3[%dma_start3A_657] : memref<33562624xi32, #tpu.memory_space<hbm>> -> memref<33562624xi32, #tpu.memory_space<hbm>>
      tpu.enqueue_indirect_dma source(%dma_start3A_653 : memref<128xi32, #tpu.memory_space<vmem>>) target(%dma_start3A_658 : memref<33562624xi32, #tpu.memory_space<hbm>>) offsets(%dma_start3A_656 : memref<128xi32, #tpu.memory_space<vmem>>) semaphore(%arg7 : memref<!tpu.dma_semaphore, #tpu.memory_space<semaphore_mem>>)
      %dma_wait3A_659 = arith.constant 32 : i32
      %dma_wait3A_660 = arith.constant 4096 : i32
      %dma_wait3A_661 = tpu.memref_slice %arg6[%dma_wait3A_660] : memref<8192xi32, #tpu.memory_space<vmem>> -> memref<128xi32, #tpu.memory_space<vmem>>
      %dma_wait3A_662 = arith.constant 0 : i32
      %dma_wait3A_663 = tpu.memref_slice %arg5[%dma_wait3A_659, %dma_wait3A_662] : memref<64x128xi32, #tpu.memory_space<vmem>> -> memref<1x128xi32, #tpu.memory_space<vmem>>
      %dma_wait3A_664 = tpu.memref_squeeze %dma_wait3A_663 : memref<1x128xi32, #tpu.memory_space<vmem>> -> memref<128xi32, #tpu.memory_space<vmem>>
      %dma_wait3A_665 = arith.constant 0 : i32
      %dma_wait3A_666 = tpu.memref_slice %arg3[%dma_wait3A_665] : memref<33562624xi32, #tpu.memory_space<hbm>> -> memref<33562624xi32, #tpu.memory_space<hbm>>
      tpu.wait_indirect_dma semaphore(%arg7 : memref<!tpu.dma_semaphore, #tpu.memory_space<semaphore_mem>>) src(%dma_wait3A_661 : memref<128xi32, #tpu.memory_space<vmem>>) dst(%dma_wait3A_666 : memref<33562624xi32, #tpu.memory_space<hbm>>)
      %dma_wait3A_667 = arith.constant 33 : i32
      %dma_wait3A_668 = arith.constant 4224 : i32
      %dma_wait3A_669 = tpu.memref_slice %arg6[%dma_wait3A_668] : memref<8192xi32, #tpu.memory_space<vmem>> -> memref<128xi32, #tpu.memory_space<vmem>>
      %dma_wait3A_670 = arith.constant 0 : i32
      %dma_wait3A_671 = tpu.memref_slice %arg5[%dma_wait3A_667, %dma_wait3A_670] : memref<64x128xi32, #tpu.memory_space<vmem>> -> memref<1x128xi32, #tpu.memory_space<vmem>>
      %dma_wait3A_672 = tpu.memref_squeeze %dma_wait3A_671 : memref<1x128xi32, #tpu.memory_space<vmem>> -> memref<128xi32, #tpu.memory_space<vmem>>
      %dma_wait3A_673 = arith.constant 0 : i32
      %dma_wait3A_674 = tpu.memref_slice %arg3[%dma_wait3A_673] : memref<33562624xi32, #tpu.memory_space<hbm>> -> memref<33562624xi32, #tpu.memory_space<hbm>>
      tpu.wait_indirect_dma semaphore(%arg7 : memref<!tpu.dma_semaphore, #tpu.memory_space<semaphore_mem>>) src(%dma_wait3A_669 : memref<128xi32, #tpu.memory_space<vmem>>) dst(%dma_wait3A_674 : memref<33562624xi32, #tpu.memory_space<hbm>>)
      %dma_wait3A_675 = arith.constant 34 : i32
      %dma_wait3A_676 = arith.constant 4352 : i32
      %dma_wait3A_677 = tpu.memref_slice %arg6[%dma_wait3A_676] : memref<8192xi32, #tpu.memory_space<vmem>> -> memref<128xi32, #tpu.memory_space<vmem>>
      %dma_wait3A_678 = arith.constant 0 : i32
      %dma_wait3A_679 = tpu.memref_slice %arg5[%dma_wait3A_675, %dma_wait3A_678] : memref<64x128xi32, #tpu.memory_space<vmem>> -> memref<1x128xi32, #tpu.memory_space<vmem>>
      %dma_wait3A_680 = tpu.memref_squeeze %dma_wait3A_679 : memref<1x128xi32, #tpu.memory_space<vmem>> -> memref<128xi32, #tpu.memory_space<vmem>>
      %dma_wait3A_681 = arith.constant 0 : i32
      %dma_wait3A_682 = tpu.memref_slice %arg3[%dma_wait3A_681] : memref<33562624xi32, #tpu.memory_space<hbm>> -> memref<33562624xi32, #tpu.memory_space<hbm>>
      tpu.wait_indirect_dma semaphore(%arg7 : memref<!tpu.dma_semaphore, #tpu.memory_space<semaphore_mem>>) src(%dma_wait3A_677 : memref<128xi32, #tpu.memory_space<vmem>>) dst(%dma_wait3A_682 : memref<33562624xi32, #tpu.memory_space<hbm>>)
      %dma_wait3A_683 = arith.constant 35 : i32
      %dma_wait3A_684 = arith.constant 4480 : i32
      %dma_wait3A_685 = tpu.memref_slice %arg6[%dma_wait3A_684] : memref<8192xi32, #tpu.memory_space<vmem>> -> memref<128xi32, #tpu.memory_space<vmem>>
      %dma_wait3A_686 = arith.constant 0 : i32
      %dma_wait3A_687 = tpu.memref_slice %arg5[%dma_wait3A_683, %dma_wait3A_686] : memref<64x128xi32, #tpu.memory_space<vmem>> -> memref<1x128xi32, #tpu.memory_space<vmem>>
      %dma_wait3A_688 = tpu.memref_squeeze %dma_wait3A_687 : memref<1x128xi32, #tpu.memory_space<vmem>> -> memref<128xi32, #tpu.memory_space<vmem>>
      %dma_wait3A_689 = arith.constant 0 : i32
      %dma_wait3A_690 = tpu.memref_slice %arg3[%dma_wait3A_689] : memref<33562624xi32, #tpu.memory_space<hbm>> -> memref<33562624xi32, #tpu.memory_space<hbm>>
      tpu.wait_indirect_dma semaphore(%arg7 : memref<!tpu.dma_semaphore, #tpu.memory_space<semaphore_mem>>) src(%dma_wait3A_685 : memref<128xi32, #tpu.memory_space<vmem>>) dst(%dma_wait3A_690 : memref<33562624xi32, #tpu.memory_space<hbm>>)
      %dma_wait3A_691 = arith.constant 36 : i32
      %dma_wait3A_692 = arith.constant 4608 : i32
      %dma_wait3A_693 = tpu.memref_slice %arg6[%dma_wait3A_692] : memref<8192xi32, #tpu.memory_space<vmem>> -> memref<128xi32, #tpu.memory_space<vmem>>
      %dma_wait3A_694 = arith.constant 0 : i32
      %dma_wait3A_695 = tpu.memref_slice %arg5[%dma_wait3A_691, %dma_wait3A_694] : memref<64x128xi32, #tpu.memory_space<vmem>> -> memref<1x128xi32, #tpu.memory_space<vmem>>
      %dma_wait3A_696 = tpu.memref_squeeze %dma_wait3A_695 : memref<1x128xi32, #tpu.memory_space<vmem>> -> memref<128xi32, #tpu.memory_space<vmem>>
      %dma_wait3A_697 = arith.constant 0 : i32
      %dma_wait3A_698 = tpu.memref_slice %arg3[%dma_wait3A_697] : memref<33562624xi32, #tpu.memory_space<hbm>> -> memref<33562624xi32, #tpu.memory_space<hbm>>
      tpu.wait_indirect_dma semaphore(%arg7 : memref<!tpu.dma_semaphore, #tpu.memory_space<semaphore_mem>>) src(%dma_wait3A_693 : memref<128xi32, #tpu.memory_space<vmem>>) dst(%dma_wait3A_698 : memref<33562624xi32, #tpu.memory_space<hbm>>)
      %dma_wait3A_699 = arith.constant 37 : i32
      %dma_wait3A_700 = arith.constant 4736 : i32
      %dma_wait3A_701 = tpu.memref_slice %arg6[%dma_wait3A_700] : memref<8192xi32, #tpu.memory_space<vmem>> -> memref<128xi32, #tpu.memory_space<vmem>>
      %dma_wait3A_702 = arith.constant 0 : i32
      %dma_wait3A_703 = tpu.memref_slice %arg5[%dma_wait3A_699, %dma_wait3A_702] : memref<64x128xi32, #tpu.memory_space<vmem>> -> memref<1x128xi32, #tpu.memory_space<vmem>>
      %dma_wait3A_704 = tpu.memref_squeeze %dma_wait3A_703 : memref<1x128xi32, #tpu.memory_space<vmem>> -> memref<128xi32, #tpu.memory_space<vmem>>
      %dma_wait3A_705 = arith.constant 0 : i32
      %dma_wait3A_706 = tpu.memref_slice %arg3[%dma_wait3A_705] : memref<33562624xi32, #tpu.memory_space<hbm>> -> memref<33562624xi32, #tpu.memory_space<hbm>>
      tpu.wait_indirect_dma semaphore(%arg7 : memref<!tpu.dma_semaphore, #tpu.memory_space<semaphore_mem>>) src(%dma_wait3A_701 : memref<128xi32, #tpu.memory_space<vmem>>) dst(%dma_wait3A_706 : memref<33562624xi32, #tpu.memory_space<hbm>>)
      %dma_wait3A_707 = arith.constant 38 : i32
      %dma_wait3A_708 = arith.constant 4864 : i32
      %dma_wait3A_709 = tpu.memref_slice %arg6[%dma_wait3A_708] : memref<8192xi32, #tpu.memory_space<vmem>> -> memref<128xi32, #tpu.memory_space<vmem>>
      %dma_wait3A_710 = arith.constant 0 : i32
      %dma_wait3A_711 = tpu.memref_slice %arg5[%dma_wait3A_707, %dma_wait3A_710] : memref<64x128xi32, #tpu.memory_space<vmem>> -> memref<1x128xi32, #tpu.memory_space<vmem>>
      %dma_wait3A_712 = tpu.memref_squeeze %dma_wait3A_711 : memref<1x128xi32, #tpu.memory_space<vmem>> -> memref<128xi32, #tpu.memory_space<vmem>>
      %dma_wait3A_713 = arith.constant 0 : i32
      %dma_wait3A_714 = tpu.memref_slice %arg3[%dma_wait3A_713] : memref<33562624xi32, #tpu.memory_space<hbm>> -> memref<33562624xi32, #tpu.memory_space<hbm>>
      tpu.wait_indirect_dma semaphore(%arg7 : memref<!tpu.dma_semaphore, #tpu.memory_space<semaphore_mem>>) src(%dma_wait3A_709 : memref<128xi32, #tpu.memory_space<vmem>>) dst(%dma_wait3A_714 : memref<33562624xi32, #tpu.memory_space<hbm>>)
      %dma_wait3A_715 = arith.constant 39 : i32
      %dma_wait3A_716 = arith.constant 4992 : i32
      %dma_wait3A_717 = tpu.memref_slice %arg6[%dma_wait3A_716] : memref<8192xi32, #tpu.memory_space<vmem>> -> memref<128xi32, #tpu.memory_space<vmem>>
      %dma_wait3A_718 = arith.constant 0 : i32
      %dma_wait3A_719 = tpu.memref_slice %arg5[%dma_wait3A_715, %dma_wait3A_718] : memref<64x128xi32, #tpu.memory_space<vmem>> -> memref<1x128xi32, #tpu.memory_space<vmem>>
      %dma_wait3A_720 = tpu.memref_squeeze %dma_wait3A_719 : memref<1x128xi32, #tpu.memory_space<vmem>> -> memref<128xi32, #tpu.memory_space<vmem>>
      %dma_wait3A_721 = arith.constant 0 : i32
      %dma_wait3A_722 = tpu.memref_slice %arg3[%dma_wait3A_721] : memref<33562624xi32, #tpu.memory_space<hbm>> -> memref<33562624xi32, #tpu.memory_space<hbm>>
      tpu.wait_indirect_dma semaphore(%arg7 : memref<!tpu.dma_semaphore, #tpu.memory_space<semaphore_mem>>) src(%dma_wait3A_717 : memref<128xi32, #tpu.memory_space<vmem>>) dst(%dma_wait3A_722 : memref<33562624xi32, #tpu.memory_space<hbm>>)
      %dma_wait3A_723 = arith.constant 40 : i32
      %dma_wait3A_724 = arith.constant 5120 : i32
      %dma_wait3A_725 = tpu.memref_slice %arg6[%dma_wait3A_724] : memref<8192xi32, #tpu.memory_space<vmem>> -> memref<128xi32, #tpu.memory_space<vmem>>
      %dma_wait3A_726 = arith.constant 0 : i32
      %dma_wait3A_727 = tpu.memref_slice %arg5[%dma_wait3A_723, %dma_wait3A_726] : memref<64x128xi32, #tpu.memory_space<vmem>> -> memref<1x128xi32, #tpu.memory_space<vmem>>
      %dma_wait3A_728 = tpu.memref_squeeze %dma_wait3A_727 : memref<1x128xi32, #tpu.memory_space<vmem>> -> memref<128xi32, #tpu.memory_space<vmem>>
      %dma_wait3A_729 = arith.constant 0 : i32
      %dma_wait3A_730 = tpu.memref_slice %arg3[%dma_wait3A_729] : memref<33562624xi32, #tpu.memory_space<hbm>> -> memref<33562624xi32, #tpu.memory_space<hbm>>
      tpu.wait_indirect_dma semaphore(%arg7 : memref<!tpu.dma_semaphore, #tpu.memory_space<semaphore_mem>>) src(%dma_wait3A_725 : memref<128xi32, #tpu.memory_space<vmem>>) dst(%dma_wait3A_730 : memref<33562624xi32, #tpu.memory_space<hbm>>)
      %dma_wait3A_731 = arith.constant 41 : i32
      %dma_wait3A_732 = arith.constant 5248 : i32
      %dma_wait3A_733 = tpu.memref_slice %arg6[%dma_wait3A_732] : memref<8192xi32, #tpu.memory_space<vmem>> -> memref<128xi32, #tpu.memory_space<vmem>>
      %dma_wait3A_734 = arith.constant 0 : i32
      %dma_wait3A_735 = tpu.memref_slice %arg5[%dma_wait3A_731, %dma_wait3A_734] : memref<64x128xi32, #tpu.memory_space<vmem>> -> memref<1x128xi32, #tpu.memory_space<vmem>>
      %dma_wait3A_736 = tpu.memref_squeeze %dma_wait3A_735 : memref<1x128xi32, #tpu.memory_space<vmem>> -> memref<128xi32, #tpu.memory_space<vmem>>
      %dma_wait3A_737 = arith.constant 0 : i32
      %dma_wait3A_738 = tpu.memref_slice %arg3[%dma_wait3A_737] : memref<33562624xi32, #tpu.memory_space<hbm>> -> memref<33562624xi32, #tpu.memory_space<hbm>>
      tpu.wait_indirect_dma semaphore(%arg7 : memref<!tpu.dma_semaphore, #tpu.memory_space<semaphore_mem>>) src(%dma_wait3A_733 : memref<128xi32, #tpu.memory_space<vmem>>) dst(%dma_wait3A_738 : memref<33562624xi32, #tpu.memory_space<hbm>>)
      %dma_wait3A_739 = arith.constant 42 : i32
      %dma_wait3A_740 = arith.constant 5376 : i32
      %dma_wait3A_741 = tpu.memref_slice %arg6[%dma_wait3A_740] : memref<8192xi32, #tpu.memory_space<vmem>> -> memref<128xi32, #tpu.memory_space<vmem>>
      %dma_wait3A_742 = arith.constant 0 : i32
      %dma_wait3A_743 = tpu.memref_slice %arg5[%dma_wait3A_739, %dma_wait3A_742] : memref<64x128xi32, #tpu.memory_space<vmem>> -> memref<1x128xi32, #tpu.memory_space<vmem>>
      %dma_wait3A_744 = tpu.memref_squeeze %dma_wait3A_743 : memref<1x128xi32, #tpu.memory_space<vmem>> -> memref<128xi32, #tpu.memory_space<vmem>>
      %dma_wait3A_745 = arith.constant 0 : i32
      %dma_wait3A_746 = tpu.memref_slice %arg3[%dma_wait3A_745] : memref<33562624xi32, #tpu.memory_space<hbm>> -> memref<33562624xi32, #tpu.memory_space<hbm>>
      tpu.wait_indirect_dma semaphore(%arg7 : memref<!tpu.dma_semaphore, #tpu.memory_space<semaphore_mem>>) src(%dma_wait3A_741 : memref<128xi32, #tpu.memory_space<vmem>>) dst(%dma_wait3A_746 : memref<33562624xi32, #tpu.memory_space<hbm>>)
      %dma_wait3A_747 = arith.constant 43 : i32
      %dma_wait3A_748 = arith.constant 5504 : i32
      %dma_wait3A_749 = tpu.memref_slice %arg6[%dma_wait3A_748] : memref<8192xi32, #tpu.memory_space<vmem>> -> memref<128xi32, #tpu.memory_space<vmem>>
      %dma_wait3A_750 = arith.constant 0 : i32
      %dma_wait3A_751 = tpu.memref_slice %arg5[%dma_wait3A_747, %dma_wait3A_750] : memref<64x128xi32, #tpu.memory_space<vmem>> -> memref<1x128xi32, #tpu.memory_space<vmem>>
      %dma_wait3A_752 = tpu.memref_squeeze %dma_wait3A_751 : memref<1x128xi32, #tpu.memory_space<vmem>> -> memref<128xi32, #tpu.memory_space<vmem>>
      %dma_wait3A_753 = arith.constant 0 : i32
      %dma_wait3A_754 = tpu.memref_slice %arg3[%dma_wait3A_753] : memref<33562624xi32, #tpu.memory_space<hbm>> -> memref<33562624xi32, #tpu.memory_space<hbm>>
      tpu.wait_indirect_dma semaphore(%arg7 : memref<!tpu.dma_semaphore, #tpu.memory_space<semaphore_mem>>) src(%dma_wait3A_749 : memref<128xi32, #tpu.memory_space<vmem>>) dst(%dma_wait3A_754 : memref<33562624xi32, #tpu.memory_space<hbm>>)
      %dma_wait3A_755 = arith.constant 44 : i32
      %dma_wait3A_756 = arith.constant 5632 : i32
      %dma_wait3A_757 = tpu.memref_slice %arg6[%dma_wait3A_756] : memref<8192xi32, #tpu.memory_space<vmem>> -> memref<128xi32, #tpu.memory_space<vmem>>
      %dma_wait3A_758 = arith.constant 0 : i32
      %dma_wait3A_759 = tpu.memref_slice %arg5[%dma_wait3A_755, %dma_wait3A_758] : memref<64x128xi32, #tpu.memory_space<vmem>> -> memref<1x128xi32, #tpu.memory_space<vmem>>
      %dma_wait3A_760 = tpu.memref_squeeze %dma_wait3A_759 : memref<1x128xi32, #tpu.memory_space<vmem>> -> memref<128xi32, #tpu.memory_space<vmem>>
      %dma_wait3A_761 = arith.constant 0 : i32
      %dma_wait3A_762 = tpu.memref_slice %arg3[%dma_wait3A_761] : memref<33562624xi32, #tpu.memory_space<hbm>> -> memref<33562624xi32, #tpu.memory_space<hbm>>
      tpu.wait_indirect_dma semaphore(%arg7 : memref<!tpu.dma_semaphore, #tpu.memory_space<semaphore_mem>>) src(%dma_wait3A_757 : memref<128xi32, #tpu.memory_space<vmem>>) dst(%dma_wait3A_762 : memref<33562624xi32, #tpu.memory_space<hbm>>)
      %dma_wait3A_763 = arith.constant 45 : i32
      %dma_wait3A_764 = arith.constant 5760 : i32
      %dma_wait3A_765 = tpu.memref_slice %arg6[%dma_wait3A_764] : memref<8192xi32, #tpu.memory_space<vmem>> -> memref<128xi32, #tpu.memory_space<vmem>>
      %dma_wait3A_766 = arith.constant 0 : i32
      %dma_wait3A_767 = tpu.memref_slice %arg5[%dma_wait3A_763, %dma_wait3A_766] : memref<64x128xi32, #tpu.memory_space<vmem>> -> memref<1x128xi32, #tpu.memory_space<vmem>>
      %dma_wait3A_768 = tpu.memref_squeeze %dma_wait3A_767 : memref<1x128xi32, #tpu.memory_space<vmem>> -> memref<128xi32, #tpu.memory_space<vmem>>
      %dma_wait3A_769 = arith.constant 0 : i32
      %dma_wait3A_770 = tpu.memref_slice %arg3[%dma_wait3A_769] : memref<33562624xi32, #tpu.memory_space<hbm>> -> memref<33562624xi32, #tpu.memory_space<hbm>>
      tpu.wait_indirect_dma semaphore(%arg7 : memref<!tpu.dma_semaphore, #tpu.memory_space<semaphore_mem>>) src(%dma_wait3A_765 : memref<128xi32, #tpu.memory_space<vmem>>) dst(%dma_wait3A_770 : memref<33562624xi32, #tpu.memory_space<hbm>>)
      %dma_wait3A_771 = arith.constant 46 : i32
      %dma_wait3A_772 = arith.constant 5888 : i32
      %dma_wait3A_773 = tpu.memref_slice %arg6[%dma_wait3A_772] : memref<8192xi32, #tpu.memory_space<vmem>> -> memref<128xi32, #tpu.memory_space<vmem>>
      %dma_wait3A_774 = arith.constant 0 : i32
      %dma_wait3A_775 = tpu.memref_slice %arg5[%dma_wait3A_771, %dma_wait3A_774] : memref<64x128xi32, #tpu.memory_space<vmem>> -> memref<1x128xi32, #tpu.memory_space<vmem>>
      %dma_wait3A_776 = tpu.memref_squeeze %dma_wait3A_775 : memref<1x128xi32, #tpu.memory_space<vmem>> -> memref<128xi32, #tpu.memory_space<vmem>>
      %dma_wait3A_777 = arith.constant 0 : i32
      %dma_wait3A_778 = tpu.memref_slice %arg3[%dma_wait3A_777] : memref<33562624xi32, #tpu.memory_space<hbm>> -> memref<33562624xi32, #tpu.memory_space<hbm>>
      tpu.wait_indirect_dma semaphore(%arg7 : memref<!tpu.dma_semaphore, #tpu.memory_space<semaphore_mem>>) src(%dma_wait3A_773 : memref<128xi32, #tpu.memory_space<vmem>>) dst(%dma_wait3A_778 : memref<33562624xi32, #tpu.memory_space<hbm>>)
      %dma_wait3A_779 = arith.constant 47 : i32
      %dma_wait3A_780 = arith.constant 6016 : i32
      %dma_wait3A_781 = tpu.memref_slice %arg6[%dma_wait3A_780] : memref<8192xi32, #tpu.memory_space<vmem>> -> memref<128xi32, #tpu.memory_space<vmem>>
      %dma_wait3A_782 = arith.constant 0 : i32
      %dma_wait3A_783 = tpu.memref_slice %arg5[%dma_wait3A_779, %dma_wait3A_782] : memref<64x128xi32, #tpu.memory_space<vmem>> -> memref<1x128xi32, #tpu.memory_space<vmem>>
      %dma_wait3A_784 = tpu.memref_squeeze %dma_wait3A_783 : memref<1x128xi32, #tpu.memory_space<vmem>> -> memref<128xi32, #tpu.memory_space<vmem>>
      %dma_wait3A_785 = arith.constant 0 : i32
      %dma_wait3A_786 = tpu.memref_slice %arg3[%dma_wait3A_785] : memref<33562624xi32, #tpu.memory_space<hbm>> -> memref<33562624xi32, #tpu.memory_space<hbm>>
      tpu.wait_indirect_dma semaphore(%arg7 : memref<!tpu.dma_semaphore, #tpu.memory_space<semaphore_mem>>) src(%dma_wait3A_781 : memref<128xi32, #tpu.memory_space<vmem>>) dst(%dma_wait3A_786 : memref<33562624xi32, #tpu.memory_space<hbm>>)
      %dma_start3A_787 = arith.constant 48 : i32
      %dma_start3A_788 = arith.constant 6144 : i32
      %dma_start3A_789 = tpu.memref_slice %arg6[%dma_start3A_788] : memref<8192xi32, #tpu.memory_space<vmem>> -> memref<128xi32, #tpu.memory_space<vmem>>
      %dma_start3A_790 = arith.constant 0 : i32
      %dma_start3A_791 = tpu.memref_slice %arg5[%dma_start3A_787, %dma_start3A_790] : memref<64x128xi32, #tpu.memory_space<vmem>> -> memref<1x128xi32, #tpu.memory_space<vmem>>
      %dma_start3A_792 = tpu.memref_squeeze %dma_start3A_791 : memref<1x128xi32, #tpu.memory_space<vmem>> -> memref<128xi32, #tpu.memory_space<vmem>>
      %dma_start3A_793 = arith.constant 0 : i32
      %dma_start3A_794 = tpu.memref_slice %arg3[%dma_start3A_793] : memref<33562624xi32, #tpu.memory_space<hbm>> -> memref<33562624xi32, #tpu.memory_space<hbm>>
      tpu.enqueue_indirect_dma source(%dma_start3A_789 : memref<128xi32, #tpu.memory_space<vmem>>) target(%dma_start3A_794 : memref<33562624xi32, #tpu.memory_space<hbm>>) offsets(%dma_start3A_792 : memref<128xi32, #tpu.memory_space<vmem>>) semaphore(%arg7 : memref<!tpu.dma_semaphore, #tpu.memory_space<semaphore_mem>>)
      %dma_start3A_795 = arith.constant 49 : i32
      %dma_start3A_796 = arith.constant 6272 : i32
      %dma_start3A_797 = tpu.memref_slice %arg6[%dma_start3A_796] : memref<8192xi32, #tpu.memory_space<vmem>> -> memref<128xi32, #tpu.memory_space<vmem>>
      %dma_start3A_798 = arith.constant 0 : i32
      %dma_start3A_799 = tpu.memref_slice %arg5[%dma_start3A_795, %dma_start3A_798] : memref<64x128xi32, #tpu.memory_space<vmem>> -> memref<1x128xi32, #tpu.memory_space<vmem>>
      %dma_start3A_800 = tpu.memref_squeeze %dma_start3A_799 : memref<1x128xi32, #tpu.memory_space<vmem>> -> memref<128xi32, #tpu.memory_space<vmem>>
      %dma_start3A_801 = arith.constant 0 : i32
      %dma_start3A_802 = tpu.memref_slice %arg3[%dma_start3A_801] : memref<33562624xi32, #tpu.memory_space<hbm>> -> memref<33562624xi32, #tpu.memory_space<hbm>>
      tpu.enqueue_indirect_dma source(%dma_start3A_797 : memref<128xi32, #tpu.memory_space<vmem>>) target(%dma_start3A_802 : memref<33562624xi32, #tpu.memory_space<hbm>>) offsets(%dma_start3A_800 : memref<128xi32, #tpu.memory_space<vmem>>) semaphore(%arg7 : memref<!tpu.dma_semaphore, #tpu.memory_space<semaphore_mem>>)
      %dma_start3A_803 = arith.constant 50 : i32
      %dma_start3A_804 = arith.constant 6400 : i32
      %dma_start3A_805 = tpu.memref_slice %arg6[%dma_start3A_804] : memref<8192xi32, #tpu.memory_space<vmem>> -> memref<128xi32, #tpu.memory_space<vmem>>
      %dma_start3A_806 = arith.constant 0 : i32
      %dma_start3A_807 = tpu.memref_slice %arg5[%dma_start3A_803, %dma_start3A_806] : memref<64x128xi32, #tpu.memory_space<vmem>> -> memref<1x128xi32, #tpu.memory_space<vmem>>
      %dma_start3A_808 = tpu.memref_squeeze %dma_start3A_807 : memref<1x128xi32, #tpu.memory_space<vmem>> -> memref<128xi32, #tpu.memory_space<vmem>>
      %dma_start3A_809 = arith.constant 0 : i32
      %dma_start3A_810 = tpu.memref_slice %arg3[%dma_start3A_809] : memref<33562624xi32, #tpu.memory_space<hbm>> -> memref<33562624xi32, #tpu.memory_space<hbm>>
      tpu.enqueue_indirect_dma source(%dma_start3A_805 : memref<128xi32, #tpu.memory_space<vmem>>) target(%dma_start3A_810 : memref<33562624xi32, #tpu.memory_space<hbm>>) offsets(%dma_start3A_808 : memref<128xi32, #tpu.memory_space<vmem>>) semaphore(%arg7 : memref<!tpu.dma_semaphore, #tpu.memory_space<semaphore_mem>>)
      %dma_start3A_811 = arith.constant 51 : i32
      %dma_start3A_812 = arith.constant 6528 : i32
      %dma_start3A_813 = tpu.memref_slice %arg6[%dma_start3A_812] : memref<8192xi32, #tpu.memory_space<vmem>> -> memref<128xi32, #tpu.memory_space<vmem>>
      %dma_start3A_814 = arith.constant 0 : i32
      %dma_start3A_815 = tpu.memref_slice %arg5[%dma_start3A_811, %dma_start3A_814] : memref<64x128xi32, #tpu.memory_space<vmem>> -> memref<1x128xi32, #tpu.memory_space<vmem>>
      %dma_start3A_816 = tpu.memref_squeeze %dma_start3A_815 : memref<1x128xi32, #tpu.memory_space<vmem>> -> memref<128xi32, #tpu.memory_space<vmem>>
      %dma_start3A_817 = arith.constant 0 : i32
      %dma_start3A_818 = tpu.memref_slice %arg3[%dma_start3A_817] : memref<33562624xi32, #tpu.memory_space<hbm>> -> memref<33562624xi32, #tpu.memory_space<hbm>>
      tpu.enqueue_indirect_dma source(%dma_start3A_813 : memref<128xi32, #tpu.memory_space<vmem>>) target(%dma_start3A_818 : memref<33562624xi32, #tpu.memory_space<hbm>>) offsets(%dma_start3A_816 : memref<128xi32, #tpu.memory_space<vmem>>) semaphore(%arg7 : memref<!tpu.dma_semaphore, #tpu.memory_space<semaphore_mem>>)
      %dma_start3A_819 = arith.constant 52 : i32
      %dma_start3A_820 = arith.constant 6656 : i32
      %dma_start3A_821 = tpu.memref_slice %arg6[%dma_start3A_820] : memref<8192xi32, #tpu.memory_space<vmem>> -> memref<128xi32, #tpu.memory_space<vmem>>
      %dma_start3A_822 = arith.constant 0 : i32
      %dma_start3A_823 = tpu.memref_slice %arg5[%dma_start3A_819, %dma_start3A_822] : memref<64x128xi32, #tpu.memory_space<vmem>> -> memref<1x128xi32, #tpu.memory_space<vmem>>
      %dma_start3A_824 = tpu.memref_squeeze %dma_start3A_823 : memref<1x128xi32, #tpu.memory_space<vmem>> -> memref<128xi32, #tpu.memory_space<vmem>>
      %dma_start3A_825 = arith.constant 0 : i32
      %dma_start3A_826 = tpu.memref_slice %arg3[%dma_start3A_825] : memref<33562624xi32, #tpu.memory_space<hbm>> -> memref<33562624xi32, #tpu.memory_space<hbm>>
      tpu.enqueue_indirect_dma source(%dma_start3A_821 : memref<128xi32, #tpu.memory_space<vmem>>) target(%dma_start3A_826 : memref<33562624xi32, #tpu.memory_space<hbm>>) offsets(%dma_start3A_824 : memref<128xi32, #tpu.memory_space<vmem>>) semaphore(%arg7 : memref<!tpu.dma_semaphore, #tpu.memory_space<semaphore_mem>>)
      %dma_start3A_827 = arith.constant 53 : i32
      %dma_start3A_828 = arith.constant 6784 : i32
      %dma_start3A_829 = tpu.memref_slice %arg6[%dma_start3A_828] : memref<8192xi32, #tpu.memory_space<vmem>> -> memref<128xi32, #tpu.memory_space<vmem>>
      %dma_start3A_830 = arith.constant 0 : i32
      %dma_start3A_831 = tpu.memref_slice %arg5[%dma_start3A_827, %dma_start3A_830] : memref<64x128xi32, #tpu.memory_space<vmem>> -> memref<1x128xi32, #tpu.memory_space<vmem>>
      %dma_start3A_832 = tpu.memref_squeeze %dma_start3A_831 : memref<1x128xi32, #tpu.memory_space<vmem>> -> memref<128xi32, #tpu.memory_space<vmem>>
      %dma_start3A_833 = arith.constant 0 : i32
      %dma_start3A_834 = tpu.memref_slice %arg3[%dma_start3A_833] : memref<33562624xi32, #tpu.memory_space<hbm>> -> memref<33562624xi32, #tpu.memory_space<hbm>>
      tpu.enqueue_indirect_dma source(%dma_start3A_829 : memref<128xi32, #tpu.memory_space<vmem>>) target(%dma_start3A_834 : memref<33562624xi32, #tpu.memory_space<hbm>>) offsets(%dma_start3A_832 : memref<128xi32, #tpu.memory_space<vmem>>) semaphore(%arg7 : memref<!tpu.dma_semaphore, #tpu.memory_space<semaphore_mem>>)
      %dma_start3A_835 = arith.constant 54 : i32
      %dma_start3A_836 = arith.constant 6912 : i32
      %dma_start3A_837 = tpu.memref_slice %arg6[%dma_start3A_836] : memref<8192xi32, #tpu.memory_space<vmem>> -> memref<128xi32, #tpu.memory_space<vmem>>
      %dma_start3A_838 = arith.constant 0 : i32
      %dma_start3A_839 = tpu.memref_slice %arg5[%dma_start3A_835, %dma_start3A_838] : memref<64x128xi32, #tpu.memory_space<vmem>> -> memref<1x128xi32, #tpu.memory_space<vmem>>
      %dma_start3A_840 = tpu.memref_squeeze %dma_start3A_839 : memref<1x128xi32, #tpu.memory_space<vmem>> -> memref<128xi32, #tpu.memory_space<vmem>>
      %dma_start3A_841 = arith.constant 0 : i32
      %dma_start3A_842 = tpu.memref_slice %arg3[%dma_start3A_841] : memref<33562624xi32, #tpu.memory_space<hbm>> -> memref<33562624xi32, #tpu.memory_space<hbm>>
      tpu.enqueue_indirect_dma source(%dma_start3A_837 : memref<128xi32, #tpu.memory_space<vmem>>) target(%dma_start3A_842 : memref<33562624xi32, #tpu.memory_space<hbm>>) offsets(%dma_start3A_840 : memref<128xi32, #tpu.memory_space<vmem>>) semaphore(%arg7 : memref<!tpu.dma_semaphore, #tpu.memory_space<semaphore_mem>>)
      %dma_start3A_843 = arith.constant 55 : i32
      %dma_start3A_844 = arith.constant 7040 : i32
      %dma_start3A_845 = tpu.memref_slice %arg6[%dma_start3A_844] : memref<8192xi32, #tpu.memory_space<vmem>> -> memref<128xi32, #tpu.memory_space<vmem>>
      %dma_start3A_846 = arith.constant 0 : i32
      %dma_start3A_847 = tpu.memref_slice %arg5[%dma_start3A_843, %dma_start3A_846] : memref<64x128xi32, #tpu.memory_space<vmem>> -> memref<1x128xi32, #tpu.memory_space<vmem>>
      %dma_start3A_848 = tpu.memref_squeeze %dma_start3A_847 : memref<1x128xi32, #tpu.memory_space<vmem>> -> memref<128xi32, #tpu.memory_space<vmem>>
      %dma_start3A_849 = arith.constant 0 : i32
      %dma_start3A_850 = tpu.memref_slice %arg3[%dma_start3A_849] : memref<33562624xi32, #tpu.memory_space<hbm>> -> memref<33562624xi32, #tpu.memory_space<hbm>>
      tpu.enqueue_indirect_dma source(%dma_start3A_845 : memref<128xi32, #tpu.memory_space<vmem>>) target(%dma_start3A_850 : memref<33562624xi32, #tpu.memory_space<hbm>>) offsets(%dma_start3A_848 : memref<128xi32, #tpu.memory_space<vmem>>) semaphore(%arg7 : memref<!tpu.dma_semaphore, #tpu.memory_space<semaphore_mem>>)
      %dma_start3A_851 = arith.constant 56 : i32
      %dma_start3A_852 = arith.constant 7168 : i32
      %dma_start3A_853 = tpu.memref_slice %arg6[%dma_start3A_852] : memref<8192xi32, #tpu.memory_space<vmem>> -> memref<128xi32, #tpu.memory_space<vmem>>
      %dma_start3A_854 = arith.constant 0 : i32
      %dma_start3A_855 = tpu.memref_slice %arg5[%dma_start3A_851, %dma_start3A_854] : memref<64x128xi32, #tpu.memory_space<vmem>> -> memref<1x128xi32, #tpu.memory_space<vmem>>
      %dma_start3A_856 = tpu.memref_squeeze %dma_start3A_855 : memref<1x128xi32, #tpu.memory_space<vmem>> -> memref<128xi32, #tpu.memory_space<vmem>>
      %dma_start3A_857 = arith.constant 0 : i32
      %dma_start3A_858 = tpu.memref_slice %arg3[%dma_start3A_857] : memref<33562624xi32, #tpu.memory_space<hbm>> -> memref<33562624xi32, #tpu.memory_space<hbm>>
      tpu.enqueue_indirect_dma source(%dma_start3A_853 : memref<128xi32, #tpu.memory_space<vmem>>) target(%dma_start3A_858 : memref<33562624xi32, #tpu.memory_space<hbm>>) offsets(%dma_start3A_856 : memref<128xi32, #tpu.memory_space<vmem>>) semaphore(%arg7 : memref<!tpu.dma_semaphore, #tpu.memory_space<semaphore_mem>>)
      %dma_start3A_859 = arith.constant 57 : i32
      %dma_start3A_860 = arith.constant 7296 : i32
      %dma_start3A_861 = tpu.memref_slice %arg6[%dma_start3A_860] : memref<8192xi32, #tpu.memory_space<vmem>> -> memref<128xi32, #tpu.memory_space<vmem>>
      %dma_start3A_862 = arith.constant 0 : i32
      %dma_start3A_863 = tpu.memref_slice %arg5[%dma_start3A_859, %dma_start3A_862] : memref<64x128xi32, #tpu.memory_space<vmem>> -> memref<1x128xi32, #tpu.memory_space<vmem>>
      %dma_start3A_864 = tpu.memref_squeeze %dma_start3A_863 : memref<1x128xi32, #tpu.memory_space<vmem>> -> memref<128xi32, #tpu.memory_space<vmem>>
      %dma_start3A_865 = arith.constant 0 : i32
      %dma_start3A_866 = tpu.memref_slice %arg3[%dma_start3A_865] : memref<33562624xi32, #tpu.memory_space<hbm>> -> memref<33562624xi32, #tpu.memory_space<hbm>>
      tpu.enqueue_indirect_dma source(%dma_start3A_861 : memref<128xi32, #tpu.memory_space<vmem>>) target(%dma_start3A_866 : memref<33562624xi32, #tpu.memory_space<hbm>>) offsets(%dma_start3A_864 : memref<128xi32, #tpu.memory_space<vmem>>) semaphore(%arg7 : memref<!tpu.dma_semaphore, #tpu.memory_space<semaphore_mem>>)
      %dma_start3A_867 = arith.constant 58 : i32
      %dma_start3A_868 = arith.constant 7424 : i32
      %dma_start3A_869 = tpu.memref_slice %arg6[%dma_start3A_868] : memref<8192xi32, #tpu.memory_space<vmem>> -> memref<128xi32, #tpu.memory_space<vmem>>
      %dma_start3A_870 = arith.constant 0 : i32
      %dma_start3A_871 = tpu.memref_slice %arg5[%dma_start3A_867, %dma_start3A_870] : memref<64x128xi32, #tpu.memory_space<vmem>> -> memref<1x128xi32, #tpu.memory_space<vmem>>
      %dma_start3A_872 = tpu.memref_squeeze %dma_start3A_871 : memref<1x128xi32, #tpu.memory_space<vmem>> -> memref<128xi32, #tpu.memory_space<vmem>>
      %dma_start3A_873 = arith.constant 0 : i32
      %dma_start3A_874 = tpu.memref_slice %arg3[%dma_start3A_873] : memref<33562624xi32, #tpu.memory_space<hbm>> -> memref<33562624xi32, #tpu.memory_space<hbm>>
      tpu.enqueue_indirect_dma source(%dma_start3A_869 : memref<128xi32, #tpu.memory_space<vmem>>) target(%dma_start3A_874 : memref<33562624xi32, #tpu.memory_space<hbm>>) offsets(%dma_start3A_872 : memref<128xi32, #tpu.memory_space<vmem>>) semaphore(%arg7 : memref<!tpu.dma_semaphore, #tpu.memory_space<semaphore_mem>>)
      %dma_start3A_875 = arith.constant 59 : i32
      %dma_start3A_876 = arith.constant 7552 : i32
      %dma_start3A_877 = tpu.memref_slice %arg6[%dma_start3A_876] : memref<8192xi32, #tpu.memory_space<vmem>> -> memref<128xi32, #tpu.memory_space<vmem>>
      %dma_start3A_878 = arith.constant 0 : i32
      %dma_start3A_879 = tpu.memref_slice %arg5[%dma_start3A_875, %dma_start3A_878] : memref<64x128xi32, #tpu.memory_space<vmem>> -> memref<1x128xi32, #tpu.memory_space<vmem>>
      %dma_start3A_880 = tpu.memref_squeeze %dma_start3A_879 : memref<1x128xi32, #tpu.memory_space<vmem>> -> memref<128xi32, #tpu.memory_space<vmem>>
      %dma_start3A_881 = arith.constant 0 : i32
      %dma_start3A_882 = tpu.memref_slice %arg3[%dma_start3A_881] : memref<33562624xi32, #tpu.memory_space<hbm>> -> memref<33562624xi32, #tpu.memory_space<hbm>>
      tpu.enqueue_indirect_dma source(%dma_start3A_877 : memref<128xi32, #tpu.memory_space<vmem>>) target(%dma_start3A_882 : memref<33562624xi32, #tpu.memory_space<hbm>>) offsets(%dma_start3A_880 : memref<128xi32, #tpu.memory_space<vmem>>) semaphore(%arg7 : memref<!tpu.dma_semaphore, #tpu.memory_space<semaphore_mem>>)
      %dma_start3A_883 = arith.constant 60 : i32
      %dma_start3A_884 = arith.constant 7680 : i32
      %dma_start3A_885 = tpu.memref_slice %arg6[%dma_start3A_884] : memref<8192xi32, #tpu.memory_space<vmem>> -> memref<128xi32, #tpu.memory_space<vmem>>
      %dma_start3A_886 = arith.constant 0 : i32
      %dma_start3A_887 = tpu.memref_slice %arg5[%dma_start3A_883, %dma_start3A_886] : memref<64x128xi32, #tpu.memory_space<vmem>> -> memref<1x128xi32, #tpu.memory_space<vmem>>
      %dma_start3A_888 = tpu.memref_squeeze %dma_start3A_887 : memref<1x128xi32, #tpu.memory_space<vmem>> -> memref<128xi32, #tpu.memory_space<vmem>>
      %dma_start3A_889 = arith.constant 0 : i32
      %dma_start3A_890 = tpu.memref_slice %arg3[%dma_start3A_889] : memref<33562624xi32, #tpu.memory_space<hbm>> -> memref<33562624xi32, #tpu.memory_space<hbm>>
      tpu.enqueue_indirect_dma source(%dma_start3A_885 : memref<128xi32, #tpu.memory_space<vmem>>) target(%dma_start3A_890 : memref<33562624xi32, #tpu.memory_space<hbm>>) offsets(%dma_start3A_888 : memref<128xi32, #tpu.memory_space<vmem>>) semaphore(%arg7 : memref<!tpu.dma_semaphore, #tpu.memory_space<semaphore_mem>>)
      %dma_start3A_891 = arith.constant 61 : i32
      %dma_start3A_892 = arith.constant 7808 : i32
      %dma_start3A_893 = tpu.memref_slice %arg6[%dma_start3A_892] : memref<8192xi32, #tpu.memory_space<vmem>> -> memref<128xi32, #tpu.memory_space<vmem>>
      %dma_start3A_894 = arith.constant 0 : i32
      %dma_start3A_895 = tpu.memref_slice %arg5[%dma_start3A_891, %dma_start3A_894] : memref<64x128xi32, #tpu.memory_space<vmem>> -> memref<1x128xi32, #tpu.memory_space<vmem>>
      %dma_start3A_896 = tpu.memref_squeeze %dma_start3A_895 : memref<1x128xi32, #tpu.memory_space<vmem>> -> memref<128xi32, #tpu.memory_space<vmem>>
      %dma_start3A_897 = arith.constant 0 : i32
      %dma_start3A_898 = tpu.memref_slice %arg3[%dma_start3A_897] : memref<33562624xi32, #tpu.memory_space<hbm>> -> memref<33562624xi32, #tpu.memory_space<hbm>>
      tpu.enqueue_indirect_dma source(%dma_start3A_893 : memref<128xi32, #tpu.memory_space<vmem>>) target(%dma_start3A_898 : memref<33562624xi32, #tpu.memory_space<hbm>>) offsets(%dma_start3A_896 : memref<128xi32, #tpu.memory_space<vmem>>) semaphore(%arg7 : memref<!tpu.dma_semaphore, #tpu.memory_space<semaphore_mem>>)
      %dma_start3A_899 = arith.constant 62 : i32
      %dma_start3A_900 = arith.constant 7936 : i32
      %dma_start3A_901 = tpu.memref_slice %arg6[%dma_start3A_900] : memref<8192xi32, #tpu.memory_space<vmem>> -> memref<128xi32, #tpu.memory_space<vmem>>
      %dma_start3A_902 = arith.constant 0 : i32
      %dma_start3A_903 = tpu.memref_slice %arg5[%dma_start3A_899, %dma_start3A_902] : memref<64x128xi32, #tpu.memory_space<vmem>> -> memref<1x128xi32, #tpu.memory_space<vmem>>
      %dma_start3A_904 = tpu.memref_squeeze %dma_start3A_903 : memref<1x128xi32, #tpu.memory_space<vmem>> -> memref<128xi32, #tpu.memory_space<vmem>>
      %dma_start3A_905 = arith.constant 0 : i32
      %dma_start3A_906 = tpu.memref_slice %arg3[%dma_start3A_905] : memref<33562624xi32, #tpu.memory_space<hbm>> -> memref<33562624xi32, #tpu.memory_space<hbm>>
      tpu.enqueue_indirect_dma source(%dma_start3A_901 : memref<128xi32, #tpu.memory_space<vmem>>) target(%dma_start3A_906 : memref<33562624xi32, #tpu.memory_space<hbm>>) offsets(%dma_start3A_904 : memref<128xi32, #tpu.memory_space<vmem>>) semaphore(%arg7 : memref<!tpu.dma_semaphore, #tpu.memory_space<semaphore_mem>>)
      %dma_start3A_907 = arith.constant 63 : i32
      %dma_start3A_908 = arith.constant 8064 : i32
      %dma_start3A_909 = tpu.memref_slice %arg6[%dma_start3A_908] : memref<8192xi32, #tpu.memory_space<vmem>> -> memref<128xi32, #tpu.memory_space<vmem>>
      %dma_start3A_910 = arith.constant 0 : i32
      %dma_start3A_911 = tpu.memref_slice %arg5[%dma_start3A_907, %dma_start3A_910] : memref<64x128xi32, #tpu.memory_space<vmem>> -> memref<1x128xi32, #tpu.memory_space<vmem>>
      %dma_start3A_912 = tpu.memref_squeeze %dma_start3A_911 : memref<1x128xi32, #tpu.memory_space<vmem>> -> memref<128xi32, #tpu.memory_space<vmem>>
      %dma_start3A_913 = arith.constant 0 : i32
      %dma_start3A_914 = tpu.memref_slice %arg3[%dma_start3A_913] : memref<33562624xi32, #tpu.memory_space<hbm>> -> memref<33562624xi32, #tpu.memory_space<hbm>>
      tpu.enqueue_indirect_dma source(%dma_start3A_909 : memref<128xi32, #tpu.memory_space<vmem>>) target(%dma_start3A_914 : memref<33562624xi32, #tpu.memory_space<hbm>>) offsets(%dma_start3A_912 : memref<128xi32, #tpu.memory_space<vmem>>) semaphore(%arg7 : memref<!tpu.dma_semaphore, #tpu.memory_space<semaphore_mem>>)
      %dma_wait3A_915 = arith.constant 48 : i32
      %dma_wait3A_916 = arith.constant 6144 : i32
      %dma_wait3A_917 = tpu.memref_slice %arg6[%dma_wait3A_916] : memref<8192xi32, #tpu.memory_space<vmem>> -> memref<128xi32, #tpu.memory_space<vmem>>
      %dma_wait3A_918 = arith.constant 0 : i32
      %dma_wait3A_919 = tpu.memref_slice %arg5[%dma_wait3A_915, %dma_wait3A_918] : memref<64x128xi32, #tpu.memory_space<vmem>> -> memref<1x128xi32, #tpu.memory_space<vmem>>
      %dma_wait3A_920 = tpu.memref_squeeze %dma_wait3A_919 : memref<1x128xi32, #tpu.memory_space<vmem>> -> memref<128xi32, #tpu.memory_space<vmem>>
      %dma_wait3A_921 = arith.constant 0 : i32
      %dma_wait3A_922 = tpu.memref_slice %arg3[%dma_wait3A_921] : memref<33562624xi32, #tpu.memory_space<hbm>> -> memref<33562624xi32, #tpu.memory_space<hbm>>
      tpu.wait_indirect_dma semaphore(%arg7 : memref<!tpu.dma_semaphore, #tpu.memory_space<semaphore_mem>>) src(%dma_wait3A_917 : memref<128xi32, #tpu.memory_space<vmem>>) dst(%dma_wait3A_922 : memref<33562624xi32, #tpu.memory_space<hbm>>)
      %dma_wait3A_923 = arith.constant 49 : i32
      %dma_wait3A_924 = arith.constant 6272 : i32
      %dma_wait3A_925 = tpu.memref_slice %arg6[%dma_wait3A_924] : memref<8192xi32, #tpu.memory_space<vmem>> -> memref<128xi32, #tpu.memory_space<vmem>>
      %dma_wait3A_926 = arith.constant 0 : i32
      %dma_wait3A_927 = tpu.memref_slice %arg5[%dma_wait3A_923, %dma_wait3A_926] : memref<64x128xi32, #tpu.memory_space<vmem>> -> memref<1x128xi32, #tpu.memory_space<vmem>>
      %dma_wait3A_928 = tpu.memref_squeeze %dma_wait3A_927 : memref<1x128xi32, #tpu.memory_space<vmem>> -> memref<128xi32, #tpu.memory_space<vmem>>
      %dma_wait3A_929 = arith.constant 0 : i32
      %dma_wait3A_930 = tpu.memref_slice %arg3[%dma_wait3A_929] : memref<33562624xi32, #tpu.memory_space<hbm>> -> memref<33562624xi32, #tpu.memory_space<hbm>>
      tpu.wait_indirect_dma semaphore(%arg7 : memref<!tpu.dma_semaphore, #tpu.memory_space<semaphore_mem>>) src(%dma_wait3A_925 : memref<128xi32, #tpu.memory_space<vmem>>) dst(%dma_wait3A_930 : memref<33562624xi32, #tpu.memory_space<hbm>>)
      %dma_wait3A_931 = arith.constant 50 : i32
      %dma_wait3A_932 = arith.constant 6400 : i32
      %dma_wait3A_933 = tpu.memref_slice %arg6[%dma_wait3A_932] : memref<8192xi32, #tpu.memory_space<vmem>> -> memref<128xi32, #tpu.memory_space<vmem>>
      %dma_wait3A_934 = arith.constant 0 : i32
      %dma_wait3A_935 = tpu.memref_slice %arg5[%dma_wait3A_931, %dma_wait3A_934] : memref<64x128xi32, #tpu.memory_space<vmem>> -> memref<1x128xi32, #tpu.memory_space<vmem>>
      %dma_wait3A_936 = tpu.memref_squeeze %dma_wait3A_935 : memref<1x128xi32, #tpu.memory_space<vmem>> -> memref<128xi32, #tpu.memory_space<vmem>>
      %dma_wait3A_937 = arith.constant 0 : i32
      %dma_wait3A_938 = tpu.memref_slice %arg3[%dma_wait3A_937] : memref<33562624xi32, #tpu.memory_space<hbm>> -> memref<33562624xi32, #tpu.memory_space<hbm>>
      tpu.wait_indirect_dma semaphore(%arg7 : memref<!tpu.dma_semaphore, #tpu.memory_space<semaphore_mem>>) src(%dma_wait3A_933 : memref<128xi32, #tpu.memory_space<vmem>>) dst(%dma_wait3A_938 : memref<33562624xi32, #tpu.memory_space<hbm>>)
      %dma_wait3A_939 = arith.constant 51 : i32
      %dma_wait3A_940 = arith.constant 6528 : i32
      %dma_wait3A_941 = tpu.memref_slice %arg6[%dma_wait3A_940] : memref<8192xi32, #tpu.memory_space<vmem>> -> memref<128xi32, #tpu.memory_space<vmem>>
      %dma_wait3A_942 = arith.constant 0 : i32
      %dma_wait3A_943 = tpu.memref_slice %arg5[%dma_wait3A_939, %dma_wait3A_942] : memref<64x128xi32, #tpu.memory_space<vmem>> -> memref<1x128xi32, #tpu.memory_space<vmem>>
      %dma_wait3A_944 = tpu.memref_squeeze %dma_wait3A_943 : memref<1x128xi32, #tpu.memory_space<vmem>> -> memref<128xi32, #tpu.memory_space<vmem>>
      %dma_wait3A_945 = arith.constant 0 : i32
      %dma_wait3A_946 = tpu.memref_slice %arg3[%dma_wait3A_945] : memref<33562624xi32, #tpu.memory_space<hbm>> -> memref<33562624xi32, #tpu.memory_space<hbm>>
      tpu.wait_indirect_dma semaphore(%arg7 : memref<!tpu.dma_semaphore, #tpu.memory_space<semaphore_mem>>) src(%dma_wait3A_941 : memref<128xi32, #tpu.memory_space<vmem>>) dst(%dma_wait3A_946 : memref<33562624xi32, #tpu.memory_space<hbm>>)
      %dma_wait3A_947 = arith.constant 52 : i32
      %dma_wait3A_948 = arith.constant 6656 : i32
      %dma_wait3A_949 = tpu.memref_slice %arg6[%dma_wait3A_948] : memref<8192xi32, #tpu.memory_space<vmem>> -> memref<128xi32, #tpu.memory_space<vmem>>
      %dma_wait3A_950 = arith.constant 0 : i32
      %dma_wait3A_951 = tpu.memref_slice %arg5[%dma_wait3A_947, %dma_wait3A_950] : memref<64x128xi32, #tpu.memory_space<vmem>> -> memref<1x128xi32, #tpu.memory_space<vmem>>
      %dma_wait3A_952 = tpu.memref_squeeze %dma_wait3A_951 : memref<1x128xi32, #tpu.memory_space<vmem>> -> memref<128xi32, #tpu.memory_space<vmem>>
      %dma_wait3A_953 = arith.constant 0 : i32
      %dma_wait3A_954 = tpu.memref_slice %arg3[%dma_wait3A_953] : memref<33562624xi32, #tpu.memory_space<hbm>> -> memref<33562624xi32, #tpu.memory_space<hbm>>
      tpu.wait_indirect_dma semaphore(%arg7 : memref<!tpu.dma_semaphore, #tpu.memory_space<semaphore_mem>>) src(%dma_wait3A_949 : memref<128xi32, #tpu.memory_space<vmem>>) dst(%dma_wait3A_954 : memref<33562624xi32, #tpu.memory_space<hbm>>)
      %dma_wait3A_955 = arith.constant 53 : i32
      %dma_wait3A_956 = arith.constant 6784 : i32
      %dma_wait3A_957 = tpu.memref_slice %arg6[%dma_wait3A_956] : memref<8192xi32, #tpu.memory_space<vmem>> -> memref<128xi32, #tpu.memory_space<vmem>>
      %dma_wait3A_958 = arith.constant 0 : i32
      %dma_wait3A_959 = tpu.memref_slice %arg5[%dma_wait3A_955, %dma_wait3A_958] : memref<64x128xi32, #tpu.memory_space<vmem>> -> memref<1x128xi32, #tpu.memory_space<vmem>>
      %dma_wait3A_960 = tpu.memref_squeeze %dma_wait3A_959 : memref<1x128xi32, #tpu.memory_space<vmem>> -> memref<128xi32, #tpu.memory_space<vmem>>
      %dma_wait3A_961 = arith.constant 0 : i32
      %dma_wait3A_962 = tpu.memref_slice %arg3[%dma_wait3A_961] : memref<33562624xi32, #tpu.memory_space<hbm>> -> memref<33562624xi32, #tpu.memory_space<hbm>>
      tpu.wait_indirect_dma semaphore(%arg7 : memref<!tpu.dma_semaphore, #tpu.memory_space<semaphore_mem>>) src(%dma_wait3A_957 : memref<128xi32, #tpu.memory_space<vmem>>) dst(%dma_wait3A_962 : memref<33562624xi32, #tpu.memory_space<hbm>>)
      %dma_wait3A_963 = arith.constant 54 : i32
      %dma_wait3A_964 = arith.constant 6912 : i32
      %dma_wait3A_965 = tpu.memref_slice %arg6[%dma_wait3A_964] : memref<8192xi32, #tpu.memory_space<vmem>> -> memref<128xi32, #tpu.memory_space<vmem>>
      %dma_wait3A_966 = arith.constant 0 : i32
      %dma_wait3A_967 = tpu.memref_slice %arg5[%dma_wait3A_963, %dma_wait3A_966] : memref<64x128xi32, #tpu.memory_space<vmem>> -> memref<1x128xi32, #tpu.memory_space<vmem>>
      %dma_wait3A_968 = tpu.memref_squeeze %dma_wait3A_967 : memref<1x128xi32, #tpu.memory_space<vmem>> -> memref<128xi32, #tpu.memory_space<vmem>>
      %dma_wait3A_969 = arith.constant 0 : i32
      %dma_wait3A_970 = tpu.memref_slice %arg3[%dma_wait3A_969] : memref<33562624xi32, #tpu.memory_space<hbm>> -> memref<33562624xi32, #tpu.memory_space<hbm>>
      tpu.wait_indirect_dma semaphore(%arg7 : memref<!tpu.dma_semaphore, #tpu.memory_space<semaphore_mem>>) src(%dma_wait3A_965 : memref<128xi32, #tpu.memory_space<vmem>>) dst(%dma_wait3A_970 : memref<33562624xi32, #tpu.memory_space<hbm>>)
      %dma_wait3A_971 = arith.constant 55 : i32
      %dma_wait3A_972 = arith.constant 7040 : i32
      %dma_wait3A_973 = tpu.memref_slice %arg6[%dma_wait3A_972] : memref<8192xi32, #tpu.memory_space<vmem>> -> memref<128xi32, #tpu.memory_space<vmem>>
      %dma_wait3A_974 = arith.constant 0 : i32
      %dma_wait3A_975 = tpu.memref_slice %arg5[%dma_wait3A_971, %dma_wait3A_974] : memref<64x128xi32, #tpu.memory_space<vmem>> -> memref<1x128xi32, #tpu.memory_space<vmem>>
      %dma_wait3A_976 = tpu.memref_squeeze %dma_wait3A_975 : memref<1x128xi32, #tpu.memory_space<vmem>> -> memref<128xi32, #tpu.memory_space<vmem>>
      %dma_wait3A_977 = arith.constant 0 : i32
      %dma_wait3A_978 = tpu.memref_slice %arg3[%dma_wait3A_977] : memref<33562624xi32, #tpu.memory_space<hbm>> -> memref<33562624xi32, #tpu.memory_space<hbm>>
      tpu.wait_indirect_dma semaphore(%arg7 : memref<!tpu.dma_semaphore, #tpu.memory_space<semaphore_mem>>) src(%dma_wait3A_973 : memref<128xi32, #tpu.memory_space<vmem>>) dst(%dma_wait3A_978 : memref<33562624xi32, #tpu.memory_space<hbm>>)
      %dma_wait3A_979 = arith.constant 56 : i32
      %dma_wait3A_980 = arith.constant 7168 : i32
      %dma_wait3A_981 = tpu.memref_slice %arg6[%dma_wait3A_980] : memref<8192xi32, #tpu.memory_space<vmem>> -> memref<128xi32, #tpu.memory_space<vmem>>
      %dma_wait3A_982 = arith.constant 0 : i32
      %dma_wait3A_983 = tpu.memref_slice %arg5[%dma_wait3A_979, %dma_wait3A_982] : memref<64x128xi32, #tpu.memory_space<vmem>> -> memref<1x128xi32, #tpu.memory_space<vmem>>
      %dma_wait3A_984 = tpu.memref_squeeze %dma_wait3A_983 : memref<1x128xi32, #tpu.memory_space<vmem>> -> memref<128xi32, #tpu.memory_space<vmem>>
      %dma_wait3A_985 = arith.constant 0 : i32
      %dma_wait3A_986 = tpu.memref_slice %arg3[%dma_wait3A_985] : memref<33562624xi32, #tpu.memory_space<hbm>> -> memref<33562624xi32, #tpu.memory_space<hbm>>
      tpu.wait_indirect_dma semaphore(%arg7 : memref<!tpu.dma_semaphore, #tpu.memory_space<semaphore_mem>>) src(%dma_wait3A_981 : memref<128xi32, #tpu.memory_space<vmem>>) dst(%dma_wait3A_986 : memref<33562624xi32, #tpu.memory_space<hbm>>)
      %dma_wait3A_987 = arith.constant 57 : i32
      %dma_wait3A_988 = arith.constant 7296 : i32
      %dma_wait3A_989 = tpu.memref_slice %arg6[%dma_wait3A_988] : memref<8192xi32, #tpu.memory_space<vmem>> -> memref<128xi32, #tpu.memory_space<vmem>>
      %dma_wait3A_990 = arith.constant 0 : i32
      %dma_wait3A_991 = tpu.memref_slice %arg5[%dma_wait3A_987, %dma_wait3A_990] : memref<64x128xi32, #tpu.memory_space<vmem>> -> memref<1x128xi32, #tpu.memory_space<vmem>>
      %dma_wait3A_992 = tpu.memref_squeeze %dma_wait3A_991 : memref<1x128xi32, #tpu.memory_space<vmem>> -> memref<128xi32, #tpu.memory_space<vmem>>
      %dma_wait3A_993 = arith.constant 0 : i32
      %dma_wait3A_994 = tpu.memref_slice %arg3[%dma_wait3A_993] : memref<33562624xi32, #tpu.memory_space<hbm>> -> memref<33562624xi32, #tpu.memory_space<hbm>>
      tpu.wait_indirect_dma semaphore(%arg7 : memref<!tpu.dma_semaphore, #tpu.memory_space<semaphore_mem>>) src(%dma_wait3A_989 : memref<128xi32, #tpu.memory_space<vmem>>) dst(%dma_wait3A_994 : memref<33562624xi32, #tpu.memory_space<hbm>>)
      %dma_wait3A_995 = arith.constant 58 : i32
      %dma_wait3A_996 = arith.constant 7424 : i32
      %dma_wait3A_997 = tpu.memref_slice %arg6[%dma_wait3A_996] : memref<8192xi32, #tpu.memory_space<vmem>> -> memref<128xi32, #tpu.memory_space<vmem>>
      %dma_wait3A_998 = arith.constant 0 : i32
      %dma_wait3A_999 = tpu.memref_slice %arg5[%dma_wait3A_995, %dma_wait3A_998] : memref<64x128xi32, #tpu.memory_space<vmem>> -> memref<1x128xi32, #tpu.memory_space<vmem>>
      %dma_wait3A_1000 = tpu.memref_squeeze %dma_wait3A_999 : memref<1x128xi32, #tpu.memory_space<vmem>> -> memref<128xi32, #tpu.memory_space<vmem>>
      %dma_wait3A_1001 = arith.constant 0 : i32
      %dma_wait3A_1002 = tpu.memref_slice %arg3[%dma_wait3A_1001] : memref<33562624xi32, #tpu.memory_space<hbm>> -> memref<33562624xi32, #tpu.memory_space<hbm>>
      tpu.wait_indirect_dma semaphore(%arg7 : memref<!tpu.dma_semaphore, #tpu.memory_space<semaphore_mem>>) src(%dma_wait3A_997 : memref<128xi32, #tpu.memory_space<vmem>>) dst(%dma_wait3A_1002 : memref<33562624xi32, #tpu.memory_space<hbm>>)
      %dma_wait3A_1003 = arith.constant 59 : i32
      %dma_wait3A_1004 = arith.constant 7552 : i32
      %dma_wait3A_1005 = tpu.memref_slice %arg6[%dma_wait3A_1004] : memref<8192xi32, #tpu.memory_space<vmem>> -> memref<128xi32, #tpu.memory_space<vmem>>
      %dma_wait3A_1006 = arith.constant 0 : i32
      %dma_wait3A_1007 = tpu.memref_slice %arg5[%dma_wait3A_1003, %dma_wait3A_1006] : memref<64x128xi32, #tpu.memory_space<vmem>> -> memref<1x128xi32, #tpu.memory_space<vmem>>
      %dma_wait3A_1008 = tpu.memref_squeeze %dma_wait3A_1007 : memref<1x128xi32, #tpu.memory_space<vmem>> -> memref<128xi32, #tpu.memory_space<vmem>>
      %dma_wait3A_1009 = arith.constant 0 : i32
      %dma_wait3A_1010 = tpu.memref_slice %arg3[%dma_wait3A_1009] : memref<33562624xi32, #tpu.memory_space<hbm>> -> memref<33562624xi32, #tpu.memory_space<hbm>>
      tpu.wait_indirect_dma semaphore(%arg7 : memref<!tpu.dma_semaphore, #tpu.memory_space<semaphore_mem>>) src(%dma_wait3A_1005 : memref<128xi32, #tpu.memory_space<vmem>>) dst(%dma_wait3A_1010 : memref<33562624xi32, #tpu.memory_space<hbm>>)
      %dma_wait3A_1011 = arith.constant 60 : i32
      %dma_wait3A_1012 = arith.constant 7680 : i32
      %dma_wait3A_1013 = tpu.memref_slice %arg6[%dma_wait3A_1012] : memref<8192xi32, #tpu.memory_space<vmem>> -> memref<128xi32, #tpu.memory_space<vmem>>
      %dma_wait3A_1014 = arith.constant 0 : i32
      %dma_wait3A_1015 = tpu.memref_slice %arg5[%dma_wait3A_1011, %dma_wait3A_1014] : memref<64x128xi32, #tpu.memory_space<vmem>> -> memref<1x128xi32, #tpu.memory_space<vmem>>
      %dma_wait3A_1016 = tpu.memref_squeeze %dma_wait3A_1015 : memref<1x128xi32, #tpu.memory_space<vmem>> -> memref<128xi32, #tpu.memory_space<vmem>>
      %dma_wait3A_1017 = arith.constant 0 : i32
      %dma_wait3A_1018 = tpu.memref_slice %arg3[%dma_wait3A_1017] : memref<33562624xi32, #tpu.memory_space<hbm>> -> memref<33562624xi32, #tpu.memory_space<hbm>>
      tpu.wait_indirect_dma semaphore(%arg7 : memref<!tpu.dma_semaphore, #tpu.memory_space<semaphore_mem>>) src(%dma_wait3A_1013 : memref<128xi32, #tpu.memory_space<vmem>>) dst(%dma_wait3A_1018 : memref<33562624xi32, #tpu.memory_space<hbm>>)
      %dma_wait3A_1019 = arith.constant 61 : i32
      %dma_wait3A_1020 = arith.constant 7808 : i32
      %dma_wait3A_1021 = tpu.memref_slice %arg6[%dma_wait3A_1020] : memref<8192xi32, #tpu.memory_space<vmem>> -> memref<128xi32, #tpu.memory_space<vmem>>
      %dma_wait3A_1022 = arith.constant 0 : i32
      %dma_wait3A_1023 = tpu.memref_slice %arg5[%dma_wait3A_1019, %dma_wait3A_1022] : memref<64x128xi32, #tpu.memory_space<vmem>> -> memref<1x128xi32, #tpu.memory_space<vmem>>
      %dma_wait3A_1024 = tpu.memref_squeeze %dma_wait3A_1023 : memref<1x128xi32, #tpu.memory_space<vmem>> -> memref<128xi32, #tpu.memory_space<vmem>>
      %dma_wait3A_1025 = arith.constant 0 : i32
      %dma_wait3A_1026 = tpu.memref_slice %arg3[%dma_wait3A_1025] : memref<33562624xi32, #tpu.memory_space<hbm>> -> memref<33562624xi32, #tpu.memory_space<hbm>>
      tpu.wait_indirect_dma semaphore(%arg7 : memref<!tpu.dma_semaphore, #tpu.memory_space<semaphore_mem>>) src(%dma_wait3A_1021 : memref<128xi32, #tpu.memory_space<vmem>>) dst(%dma_wait3A_1026 : memref<33562624xi32, #tpu.memory_space<hbm>>)
      %dma_wait3A_1027 = arith.constant 62 : i32
      %dma_wait3A_1028 = arith.constant 7936 : i32
      %dma_wait3A_1029 = tpu.memref_slice %arg6[%dma_wait3A_1028] : memref<8192xi32, #tpu.memory_space<vmem>> -> memref<128xi32, #tpu.memory_space<vmem>>
      %dma_wait3A_1030 = arith.constant 0 : i32
      %dma_wait3A_1031 = tpu.memref_slice %arg5[%dma_wait3A_1027, %dma_wait3A_1030] : memref<64x128xi32, #tpu.memory_space<vmem>> -> memref<1x128xi32, #tpu.memory_space<vmem>>
      %dma_wait3A_1032 = tpu.memref_squeeze %dma_wait3A_1031 : memref<1x128xi32, #tpu.memory_space<vmem>> -> memref<128xi32, #tpu.memory_space<vmem>>
      %dma_wait3A_1033 = arith.constant 0 : i32
      %dma_wait3A_1034 = tpu.memref_slice %arg3[%dma_wait3A_1033] : memref<33562624xi32, #tpu.memory_space<hbm>> -> memref<33562624xi32, #tpu.memory_space<hbm>>
      tpu.wait_indirect_dma semaphore(%arg7 : memref<!tpu.dma_semaphore, #tpu.memory_space<semaphore_mem>>) src(%dma_wait3A_1029 : memref<128xi32, #tpu.memory_space<vmem>>) dst(%dma_wait3A_1034 : memref<33562624xi32, #tpu.memory_space<hbm>>)
      %dma_wait3A_1035 = arith.constant 63 : i32
      %dma_wait3A_1036 = arith.constant 8064 : i32
      %dma_wait3A_1037 = tpu.memref_slice %arg6[%dma_wait3A_1036] : memref<8192xi32, #tpu.memory_space<vmem>> -> memref<128xi32, #tpu.memory_space<vmem>>
      %dma_wait3A_1038 = arith.constant 0 : i32
      %dma_wait3A_1039 = tpu.memref_slice %arg5[%dma_wait3A_1035, %dma_wait3A_1038] : memref<64x128xi32, #tpu.memory_space<vmem>> -> memref<1x128xi32, #tpu.memory_space<vmem>>
      %dma_wait3A_1040 = tpu.memref_squeeze %dma_wait3A_1039 : memref<1x128xi32, #tpu.memory_space<vmem>> -> memref<128xi32, #tpu.memory_space<vmem>>
      %dma_wait3A_1041 = arith.constant 0 : i32
      %dma_wait3A_1042 = tpu.memref_slice %arg3[%dma_wait3A_1041] : memref<33562624xi32, #tpu.memory_space<hbm>> -> memref<33562624xi32, #tpu.memory_space<hbm>>
      tpu.wait_indirect_dma semaphore(%arg7 : memref<!tpu.dma_semaphore, #tpu.memory_space<semaphore_mem>>) src(%dma_wait3A_1037 : memref<128xi32, #tpu.memory_space<vmem>>) dst(%dma_wait3A_1042 : memref<33562624xi32, #tpu.memory_space<hbm>>)
      %scan3A_1043 = arith.constant 0 : i32
      scf.yield %scan3A_1043 : i32
    }
    %scan3A_15 = arith.constant 4 : i32
    return
  }
}

</mosaic_0001>

<sc_bundles>
// kernel: kernel.3.cloned.1.call-start
scs
__scs_entry_jumppad:
0x0: {  	(pc) =	sbr.rel $0x88, $3  }
0x1: {  	(tag) =	ssettag $0x0;
	lr =	simm.s32 $0x1  }
0x2: {  	[smem:$0x3F9F] =	sst lr;
	_ =	strace $0xD0000000  }
0x3: {  	_ = 	snop  }
0x4: {  	_ = 	snop  }
0x5: {  	_ = 	snop  }
0x6: {  	_ = 	snop  }
0x7: {  	_ = 	snop  }
__scs_overlays_trampoline_lowered:
0x8: {  	[smem:$0x3FAE] =	sst s0  }
0x9: {  	[smem:$0x3FAF] =	sst s1  }
0xa: {  	[smem:$0x3FB0] =	sst s2  }
0xb: {  	[smem:$0x3FB1] =	sst s3  }
0xc: {  	[smem:$0x3FB2] =	sst s4  }
0xd: {  	[smem:$0x3FB3] =	sst s5  }
0xe: {  	[smem:$0x3FB4] =	sst s6  }
0xf: {  	[smem:$0x3FB5] =	sst s7  }
0x10: {  	[smem:$0x3FB6] =	sst s8  }
0x11: {  	[smem:$0x3FB7] =	sst s9;
	s0 =	simm.s32 @!p0 $0x0  }
0x12: {  	s1 =	sld [smem:$0x3F9D];
	s0 =	simm.s32 @p0 $0x1  }
0x13: {  	[smem:$0x3FB8] =	sst s0;
	s0 =	simm.s32 @!p1 $0x0  }
0x14: {  	s2 =	sld [smem:$0x3F9C];
	s0 =	simm.s32 @p1 $0x1  }
0x15: {  	[smem:$0x3FB9] =	sst s0;
	s0 =	simm.s32 @!p2 $0x0  }
0x16: {  	s3 =	sld [smem:$0x3FDB];
	s0 =	simm.s32 @p2 $0x1  }
0x17: {  	s4 =	simm.s32 $0x1BF5;
	[smem:$0x3FBB] =	sst s0  }
0x18: {  	s0 =	sld [smem:$0x3F9E];
	_ =	swait.ge [sflag:s4], $0x0  }
0x19: {  	s7 =	sld [smem:$0x3F9F]  }
0x1a: {  	s8 =	sadd.s32 $0xFFFFE003, lr  }
0x1b: {  	s9 =	sadd.s32 $0xFFFFFEF7, lr;
	s5 =	simm.s32 $0xFFFFFFFF;
	p2 =	slt.u32 s8, $0xFFFFF086  }
0x1c: {  	p1 =	slt.u32 s9, $0xF7A;
	s5 =	simm.s32 @!p2 $0x0  }
0x1d: {  	s5 =	simm.s32 @p1 $0x1;
	p0 =	seq.s32 s7, s2  }
0x1e: {  	s7 =	smul.u32 @!p0 $0xF7A, s2;
	p2 =	seq.s32 @!p0 s5, $0x0  }
0x1f: {  	s9 =	smul.u32 $0xF7A, s1;
	s8 =	simm.s32 @!p0 $0x1BF5;
	p2 =	por !p2, p0  }
0x20: {  	[sflag:s8] =	ssyncset.s32 @!p0 $0xFFFFF086;
	s6 =	sadd.s32 @!p0 s3, s7;
	s7 =	simm.s32 @!p0 $0x108  }
0x21: {  	s3 =	sadd.s32 s3, s9;
	s6 =	sadd.s32 @!p0 $0x88, s6;
	s7 =	simm.s32 @p2 $0x1082  }
0x22: {  	[simem:s7], [sflag:s8] =	dma.local @!p0 [hbm:s6], $0xF7A  }
0x23: {  	s9 =	sor.u32 $0xD0000000, s2;
	s6 =	simm.s32 $0x108;
	_ =	swait.ge @!p0 [sflag:s8], $0x0  }
0x24: {  	s3 =	sadd.s32 $0x88, s3;
	s6 =	simm.s32 @!p1 $0x1082;
	[sflag:s4] =	ssyncset.s32 $0xFFFFF086  }
0x25: {  	[simem:s6], [sflag:s4] =	dma.local [hbm:s3], $0xF7A  }
0x26: {  	[smem:$0x3F9F] =	sst s1;
	(tag) =	ssettag s2;
	_ =	strace s9  }
0x27: {  	s1 =	sld [smem:$0x3FAF]  }
0x28: {  	s2 =	sld [smem:$0x3FB0]  }
0x29: {  	s4 =	sld [smem:$0x3FB2]  }
0x2a: {  	p0 =	seq.s32 s5, $0x0;
	s5 =	sld [smem:$0x3FB3]  }
0x2b: {  	s6 =	sld [smem:$0x3FB4]  }
0x2c: {  	s7 =	sld [smem:$0x3FB5]  }
0x2d: {  	s3 =	simm.s32 $0x108;
	s8 =	sld [smem:$0x3FB6]  }
0x2e: {  	s3 =	simm.s32 @!p0 $0x1082;
	s9 =	sld [smem:$0x3FB7]  }
0x2f: {  	lr =	sadd.s32 s0, s3;
	s0 =	sld [smem:$0x3FAE]  }
0x30: {  	s3 =	sld [smem:$0x3FB1]  }
0x31: {  	[smem:$0x3FBA] =	sst s10  }
0x32: {  	s10 =	sld [smem:$0x3FB8];
	_ =	sdelay $0x3  }
0x33: {  	p0 =	seq.s32 s10, $0x1;
	s10 =	sld [smem:$0x3FBA];
	_ =	sdelay $0x3  }
0x34: {  	[smem:$0x3FBA] =	sst s10  }
0x35: {  	s10 =	sld [smem:$0x3FB9];
	_ =	sdelay $0x3  }
0x36: {  	p1 =	seq.s32 s10, $0x1;
	s10 =	sld [smem:$0x3FBA];
	_ =	sdelay $0x3  }
0x37: {  	[smem:$0x3FBA] =	sst s10  }
0x38: {  	s10 =	sld [smem:$0x3FBB]  }
0x39: {  	_ = 	snop;
	(pc) =	sbr.ind lr, $3  }
0x3a: {  	_ = 	snop  }
0x3b: {  	_ = 	snop  }
0x3c: {  	p2 =	seq.s32 s10, $0x1;
	s10 =	sld [smem:$0x3FBA]  }
0x3d: {  	_ =	shalt  }
0x3e: {  	_ =	shalt  }
0x3f: {  	_ =	shalt  }
0x40: {  	_ =	shalt  }
0x41: {  	_ =	shalt  }
0x42: {  	_ =	shalt  }
0x43: {  	_ =	shalt  }
0x44: {  	_ =	shalt  }
0x45: {  	_ =	shalt  }
0x46: {  	_ =	shalt  }
0x47: {  	_ =	shalt  }
0x48: {  	_ =	shalt  }
0x49: {  	_ =	shalt  }
0x4a: {  	_ =	shalt  }
0x4b: {  	_ =	shalt  }
0x4c: {  	_ =	shalt  }
0x4d: {  	_ =	shalt  }
0x4e: {  	_ =	shalt  }
0x4f: {  	_ =	shalt  }
0x50: {  	_ =	shalt  }
0x51: {  	_ =	shalt  }
0x52: {  	_ =	shalt  }
0x53: {  	_ =	shalt  }
0x54: {  	_ =	shalt  }
0x55: {  	_ =	shalt  }
0x56: {  	_ =	shalt  }
0x57: {  	_ =	shalt  }
0x58: {  	_ =	shalt  }
0x59: {  	_ =	shalt  }
0x5a: {  	_ =	shalt  }
0x5b: {  	_ =	shalt  }
0x5c: {  	_ =	shalt  }
0x5d: {  	_ =	shalt  }
0x5e: {  	_ =	shalt  }
0x5f: {  	_ =	shalt  }
0x60: {  	_ =	shalt  }
0x61: {  	_ =	shalt  }
0x62: {  	_ =	shalt  }
0x63: {  	_ =	shalt  }
0x64: {  	_ =	shalt  }
0x65: {  	_ =	shalt  }
0x66: {  	_ =	shalt  }
0x67: {  	_ =	shalt  }
0x68: {  	_ =	shalt  }
0x69: {  	_ =	shalt  }
0x6a: {  	_ =	shalt  }
0x6b: {  	_ =	shalt  }
0x6c: {  	_ =	shalt  }
0x6d: {  	_ =	shalt  }
0x6e: {  	_ =	shalt  }
0x6f: {  	_ =	shalt  }
0x70: {  	_ =	shalt  }
0x71: {  	_ =	shalt  }
0x72: {  	_ =	shalt  }
0x73: {  	_ =	shalt  }
0x74: {  	_ =	shalt  }
0x75: {  	_ =	shalt  }
0x76: {  	_ =	shalt  }
0x77: {  	_ =	shalt  }
0x78: {  	_ =	shalt  }
0x79: {  	_ =	shalt  }
0x7a: {  	_ =	shalt  }
0x7b: {  	_ =	shalt  }
0x7c: {  	_ =	shalt  }
0x7d: {  	_ =	shalt  }
0x7e: {  	_ =	shalt  }
0x7f: {  	_ =	shalt  }
0x80: {  	_ =	shalt  }
0x81: {  	_ =	shalt  }
0x82: {  	_ =	shalt  }
0x83: {  	_ =	shalt  }
0x84: {  	_ =	shalt  }
0x85: {  	_ =	shalt  }
0x86: {  	_ =	shalt  }
0x87: {  	_ =	shalt  }
.Lfunc_end0:
.L_simem_size_0:
called_computation_lowered:
.L_overlay_start_0:
0x88: {  	s2 =	sld [smem:$0x3FD9]  }
0x89: {  	s3 =	sld [smem:$0x3FFE];
	_ =	sdelay $0x1  }
0x8a: {  	s1 =	srdreg.scid  }
0x8b: {  	s0 =	sand.u32 $0x1, s1  }
0x8c: {  	s17 =	sshll.u32 s0, $0xA;
	s2 =	sadd.s32 s3, s2  }
0x8d: {  	s2 =	sadd.s32 s2, s17  }
0x8e: {  	[smem:$0x3FC6] =	sst s2  }
0x8f: {  	_ = 	snop  }
0x90: {  	s2 =	sld [smem:$0x3FD0];
	(tm) =	ssettm $0x1  }
0x91: {  	s18 =	sld [smem:$0x3FFB];
	_ =	sdelay $0x3  }
0x92: {  	_ =	strace s18  }
0x93: {  	s3 =	sld [smem:$0x3FFC];
	_ =	sdelay $0x3  }
0x94: {  	_ =	strace s3  }
0x95: {  	s3 =	sld [smem:$0x3FFD];
	_ =	sdelay $0x3  }
0x96: {  	_ =	strace s3  }
0x97: {  	_ =	strace $0x8FFFFFFF  }
0x98: {  	s19 =	sld [smem:$0x3FDB];
	_ =	sdelay $0x1  }
0x99: {  	s4 =	simm.s32 $_scs_section_size  }
0x9a: {  	s5 =	simm.s32 $_size__tile_overlayer_lowered;
	s6 =	simm.s32 $_tile_overlayer_lowered  }
0x9b: {  	s22 =	simm.s32 $0x1BFF;
	s21 =	sshll.u32 s6, $0x1;
	s3 =	sadd.s32 s4, s19  }
0x9c: {  	s7 =	simm.s32 $0x0;
	s20 =	sshll.u32 s5, $0x1;
	s5 =	sadd.s32 s21, s3  }
0x9d: {  	[timem:s7], [sflag:s22] =	dma.local [hbm:s5], s20  }
0x9e: {  	_ =	swait.ge [sflag:s22], s20  }
0x9f: {  	s4 =	ssub.s32 $0x0, s20;
	[sflag:s22] =	ssyncset.done $0x0  }
0xa0: {  	[sflag:s22] =	ssyncadd.s32 s4;
	_ =	sdelay $0x1  }
0xa1: {  	s23 =	simm.s32 $0x1B8B  }
0xa2: {  	_ =	swait.ge [sflag:s23], $0x1  }
0xa3: {  	[sflag:s23] =	ssyncset.done $0x0  }
0xa4: {  	s25 =	simm.s32 $0x1B8E;
	s24 =	sld [smem:$0x3FFE];
	[sflag:s23] =	ssyncadd.s32 $0xFFFFFFFF  }
0xa5: {  	s26 =	simm.s32 $execute0_lowered;
	[smem:$0x3FD2] =	sst s25  }
0xa6: {  	s5 =	sshll.u32 s26, $0x1;
	_ =	strace $0x80000046;
	[dreg:$0x1] =	wrdreg $0xFFFFFFFF  }
0xa7: {  	s28 =	simm.s32 $_size_execute0_lowered;
	s3 =	sadd.s32 s3, s5;
	[dreg:$0x0] =	wrdreg $0x0  }
0xa8: {  	s5 =	sshll.u32 s28, $0x1;
	[dreg:$0x2] =	wrdreg s3  }
0xa9: {  	[dreg:$0x3] =	wrdreg s5  }
0xaa: {  	[dreg:$0x4] =	wrdreg $0xC0  }
0xab: {  	_ =	task [dreg:s7], $0x5FFFF  }
0xac: {  	[dreg:$0x1] =	wrdreg $0xFFFFFFFF  }
0xad: {  	[dreg:$0x0] =	wrdreg $0x60  }
0xae: {  	[dreg:$0x2] =	wrdreg s2  }
0xaf: {  	[dreg:$0x3] =	wrdreg s24  }
0xb0: {  	[dreg:$0x4] =	wrdreg $0x9  }
0xb1: {  	_ =	task.clear_ibuf [dreg:s7], $0x5FFFF;
	_ =	strace $0x90000046  }
0xb2: {  	s29 =	simm.s32 $0x9;
	_ =	strace $0x80000048  }
0xb3: {  	_ =	swait.ge [sflag:s29], $0x1  }
0xb4: {  	[sflag:s29] =	ssyncadd.s32 $0xFFFFFFFF  }
0xb5: {  	_ =	strace $0x90000048  }
0xb6: {  	_ =	sfence  }
0xb7: {  	s30 =	sld [smem:$0x0];
	_ =	sdelay $0x2  }
0xb8: {  	s31 =	sshll.u32 s1, $0xD;
	s1 =	sshrl.u32 s1, $0x2  }
0xb9: {  	s3 =	sand.u32 $0x4000, s31;
	s1 =	sadd.s32 s1, s30  }
0xba: {  	s0 =	sor.u32 s3, s0;
	s1 =	sshll.u32 s1, $0x11  }
0xbb: {  	s0 =	sor.u32 s1, s0  }
0xbc: {  	s0 =	sadd.s32 $0x8F2B, s0  }
0xbd: {  	[sflag:s0] =	ssyncadd.remote.s32 $0x1  }
0xbe: {  	_ =	sfence.sel $0xFFFF  }
0xbf: {  	[dreg:$0x0] =	wrdreg $0xFFFFFFFF;
	(pc) =	sbr.abs _section_cstart, $3  }
0xc0: {  	[dreg:$0x1] =	wrdreg $0xFFFFFFFF  }
0xc1: {  	_ =	task.clear_ibuf [dreg:s7], $0x2FFFF;
	_ =	strace $0x9FFFFFFF  }
0xc2: {  	(tm) =	ssettm $0x7FFFFFFF  }
0xc3: {  	_ =	shalt  }
tec
execute0_lowered:
.L_overlay_start_1:
0x0: {  	(tag) =	ssettag $0x1  }
0x1: {  	s4 =	rddreg [dreg:$0x0];
	s3 =	stileid.u32  }
0x2: {  	s2 =	rddreg [dreg:$0x1];
	s8 =	sshll.u32 s3, $0x10;
	s3 =	simm.s32 $0x0  }
0x3: {  	s9 =	simm.s32 $0x2080;
	[smem:$0x7FF] =	sst s3  }
0x4: {  	s10 =	simm.s32 $0x4080;
	_ =	strace $0x80000047;
	[dreg:$0x4] =	wrdreg s9  }
0x5: {  	s11 =	simm.s32 $0x2100;
	[dreg:$0x5] =	wrdreg s10  }
0x6: {  	s12 =	simm.s32 $0x4100;
	[dreg:$0x6] =	wrdreg s11  }
0x7: {  	s13 =	simm.s32 $0x2180;
	[dreg:$0x7] =	wrdreg s12  }
0x8: {  	s14 =	simm.s32 $0x4180;
	[dreg:$0x8] =	wrdreg s13  }
0x9: {  	s15 =	simm.s32 $0x2200;
	[dreg:$0x9] =	wrdreg s14  }
0xa: {  	s16 =	simm.s32 $0x4200;
	[dreg:$0xa] =	wrdreg s15  }
0xb: {  	s17 =	simm.s32 $0x2280;
	[dreg:$0xb] =	wrdreg s16  }
0xc: {  	s18 =	simm.s32 $0x4280;
	[dreg:$0xc] =	wrdreg s17  }
0xd: {  	s19 =	simm.s32 $0x2300;
	[dreg:$0xd] =	wrdreg s18  }
0xe: {  	s20 =	simm.s32 $0x4300;
	[dreg:$0xe] =	wrdreg s19  }
0xf: {  	s21 =	simm.s32 $0x2380;
	[dreg:$0xf] =	wrdreg s20  }
0x10: {  	s22 =	simm.s32 $0x4380;
	[dreg:$0x10] =	wrdreg s21  }
0x11: {  	s23 =	simm.s32 $0x2400;
	[dreg:$0x11] =	wrdreg s22  }
0x12: {  	s24 =	simm.s32 $0x4400;
	[dreg:$0x12] =	wrdreg s23  }
0x13: {  	s25 =	simm.s32 $0x2480;
	[dreg:$0x13] =	wrdreg s24  }
0x14: {  	s0 =	srdreg.scid;
	s26 =	simm.s32 $0x4480;
	[dreg:$0x14] =	wrdreg s25  }
0x15: {  	s6 =	simm.s32 $0x4500;
	s1 =	sand.u32 $0x1, s0;
	[dreg:$0x15] =	wrdreg s26  }
0x16: {  	s7 =	simm.s32 $0x2580;
	s5 =	sshll.u32 s1, $0xF;
	[dreg:$0x17] =	wrdreg s6  }
0x17: {  	s0 =	sor.u32 s5, s8;
	[dreg:$0x18] =	wrdreg s7;
	s8 =	simm.s32 $0x4580  }
0x18: {  	s9 =	simm.s32 $0x2600;
	[dreg:$0x19] =	wrdreg s8  }
0x19: {  	s10 =	simm.s32 $0x4600;
	[dreg:$0x1a] =	wrdreg s9  }
0x1a: {  	s11 =	simm.s32 $0x2680;
	[dreg:$0x1b] =	wrdreg s10  }
0x1b: {  	s12 =	simm.s32 $0x4680;
	[dreg:$0x1c] =	wrdreg s11  }
0x1c: {  	s13 =	simm.s32 $0x2700;
	[dreg:$0x1d] =	wrdreg s12  }
0x1d: {  	s14 =	simm.s32 $0x4700;
	[dreg:$0x1e] =	wrdreg s13  }
0x1e: {  	s15 =	simm.s32 $0x2780;
	[dreg:$0x1f] =	wrdreg s14  }
0x1f: {  	s16 =	simm.s32 $0x4780;
	[smem:$0x7B0] =	sst s15  }
0x20: {  	s17 =	simm.s32 $0x2800;
	[smem:$0x7B1] =	sst s16  }
0x21: {  	s18 =	simm.s32 $0x4800;
	[smem:$0x7B2] =	sst s17  }
0x22: {  	s19 =	simm.s32 $0x2880;
	[smem:$0x7B3] =	sst s18  }
0x23: {  	s20 =	simm.s32 $0x4880;
	[smem:$0x7B4] =	sst s19  }
0x24: {  	s21 =	simm.s32 $0x2900;
	[smem:$0x7B5] =	sst s20  }
0x25: {  	s22 =	simm.s32 $0x4900;
	[smem:$0x7B6] =	sst s21  }
0x26: {  	s23 =	simm.s32 $0x2980;
	[smem:$0x7B7] =	sst s22  }
0x27: {  	s24 =	simm.s32 $0x4980;
	[smem:$0x7B8] =	sst s23  }
0x28: {  	s25 =	simm.s32 $0x2A00;
	[smem:$0x7B9] =	sst s24  }
0x29: {  	s26 =	simm.s32 $0x4A00;
	[smem:$0x7BA] =	sst s25  }
0x2a: {  	s6 =	simm.s32 $0x4A80;
	[smem:$0x7BB] =	sst s26  }
0x2b: {  	s7 =	simm.s32 $0x2B00;
	[smem:$0x7BD] =	sst s6  }
0x2c: {  	[smem:$0x7BE] =	sst s7;
	s8 =	simm.s32 $0x4B00  }
0x2d: {  	s9 =	simm.s32 $0x2B80;
	[smem:$0x7BF] =	sst s8  }
0x2e: {  	s10 =	simm.s32 $0x4B80;
	[smem:$0x7C0] =	sst s9  }
0x2f: {  	s11 =	simm.s32 $0x2C00;
	[smem:$0x7C1] =	sst s10  }
0x30: {  	s12 =	simm.s32 $0x4C00;
	[smem:$0x7C2] =	sst s11  }
0x31: {  	s13 =	simm.s32 $0x2C80;
	[smem:$0x7C3] =	sst s12  }
0x32: {  	s14 =	simm.s32 $0x4C80;
	[smem:$0x7C4] =	sst s13  }
0x33: {  	s15 =	simm.s32 $0x2D00;
	[smem:$0x7C5] =	sst s14  }
0x34: {  	s16 =	simm.s32 $0x4D00;
	[smem:$0x7C6] =	sst s15  }
0x35: {  	s17 =	simm.s32 $0x2D80;
	[smem:$0x7C7] =	sst s16  }
0x36: {  	s18 =	simm.s32 $0x4D80;
	[smem:$0x7C8] =	sst s17  }
0x37: {  	s19 =	simm.s32 $0x2E00;
	[smem:$0x7C9] =	sst s18  }
0x38: {  	s20 =	simm.s32 $0x4E00;
	[smem:$0x7CA] =	sst s19  }
0x39: {  	s21 =	simm.s32 $0x2E80;
	[smem:$0x7CB] =	sst s20  }
0x3a: {  	s22 =	simm.s32 $0x4E80;
	[smem:$0x7CC] =	sst s21  }
0x3b: {  	s23 =	simm.s32 $0x2F00;
	[smem:$0x7CD] =	sst s22  }
0x3c: {  	s24 =	simm.s32 $0x4F00;
	[smem:$0x7CE] =	sst s23  }
0x3d: {  	s25 =	simm.s32 $0x2F80;
	[smem:$0x7CF] =	sst s24  }
0x3e: {  	s26 =	simm.s32 $0x4F80;
	[smem:$0x7D0] =	sst s25  }
0x3f: {  	s6 =	simm.s32 $0x5000;
	[smem:$0x7D1] =	sst s26  }
0x40: {  	s5 =	sshrl.u32 s0, $0x3;
	s7 =	simm.s32 $0x3080;
	[smem:$0x7D3] =	sst s6  }
0x41: {  	s4 =	sadd.s32 s5, s4;
	[smem:$0x7D4] =	sst s7  }
0x42: {  	s5 =	simm.s32 $0x2500;
	[dreg:$0x3] =	wrdreg s4  }
0x43: {  	s8 =	simm.s32 $0x5080;
	[dreg:$0x16] =	wrdreg s5  }
0x44: {  	s9 =	simm.s32 $0x3100;
	[smem:$0x7D5] =	sst s8  }
0x45: {  	s10 =	simm.s32 $0x5100;
	[smem:$0x7D6] =	sst s9  }
0x46: {  	s11 =	simm.s32 $0x3180;
	[smem:$0x7D7] =	sst s10  }
0x47: {  	s12 =	simm.s32 $0x5180;
	[smem:$0x7D8] =	sst s11  }
0x48: {  	s13 =	simm.s32 $0x3200;
	[smem:$0x7D9] =	sst s12  }
0x49: {  	s14 =	simm.s32 $0x5200;
	[smem:$0x7DA] =	sst s13  }
0x4a: {  	s15 =	simm.s32 $0x3280;
	[smem:$0x7DB] =	sst s14  }
0x4b: {  	s16 =	simm.s32 $0x5280;
	[smem:$0x7DC] =	sst s15  }
0x4c: {  	s17 =	simm.s32 $0x3300;
	[smem:$0x7DD] =	sst s16  }
0x4d: {  	s18 =	simm.s32 $0x5300;
	[smem:$0x7DE] =	sst s17  }
0x4e: {  	s19 =	simm.s32 $0x3380;
	[smem:$0x7DF] =	sst s18  }
0x4f: {  	s20 =	simm.s32 $0x5380;
	[smem:$0x7E0] =	sst s19  }
0x50: {  	s21 =	simm.s32 $0x3400;
	[smem:$0x7E1] =	sst s20  }
0x51: {  	s22 =	simm.s32 $0x5400;
	[smem:$0x7E2] =	sst s21  }
0x52: {  	s23 =	simm.s32 $0x3480;
	[smem:$0x7E3] =	sst s22  }
0x53: {  	s24 =	simm.s32 $0x5480;
	[smem:$0x7E4] =	sst s23  }
0x54: {  	s25 =	simm.s32 $0x3500;
	[smem:$0x7E5] =	sst s24  }
0x55: {  	s26 =	simm.s32 $0x5500;
	[smem:$0x7E6] =	sst s25  }
0x56: {  	s6 =	simm.s32 $0x5580;
	[smem:$0x7E7] =	sst s26  }
0x57: {  	s7 =	simm.s32 $0x3600;
	[smem:$0x7E9] =	sst s6  }
0x58: {  	s5 =	simm.s32 $0x2A80;
	[smem:$0x7EA] =	sst s7  }
0x59: {  	s8 =	simm.s32 $0x5600;
	[smem:$0x7BC] =	sst s5  }
0x5a: {  	s9 =	simm.s32 $0x3680;
	[smem:$0x7EB] =	sst s8  }
0x5b: {  	s10 =	simm.s32 $0x5680;
	[smem:$0x7EC] =	sst s9  }
0x5c: {  	s11 =	simm.s32 $0x3700;
	[smem:$0x7ED] =	sst s10  }
0x5d: {  	s12 =	simm.s32 $0x5700;
	[smem:$0x7EE] =	sst s11  }
0x5e: {  	s13 =	simm.s32 $0x3780;
	[smem:$0x7EF] =	sst s12  }
0x5f: {  	s14 =	simm.s32 $0x5780;
	[smem:$0x7F0] =	sst s13  }
0x60: {  	s15 =	simm.s32 $0x3800;
	[smem:$0x7F1] =	sst s14  }
0x61: {  	s16 =	simm.s32 $0x5800;
	[smem:$0x7F2] =	sst s15  }
0x62: {  	s28 =	simm.s32 $0x3F00;
	s17 =	simm.s32 $0x3880;
	[smem:$0x7F3] =	sst s16  }
0x63: {  	s29 =	simm.s32 $0x5F00;
	s18 =	simm.s32 $0x5880;
	[smem:$0x7F4] =	sst s17  }
0x64: {  	s30 =	simm.s32 $0x3F80;
	s19 =	simm.s32 $0x3900;
	[smem:$0x7F5] =	sst s18  }
0x65: {  	s31 =	simm.s32 $0x5F80;
	s20 =	simm.s32 $0x5900;
	[smem:$0x7F6] =	sst s19  }
0x66: {  	s1 =	ssub.s32 $0x2, s1;
	s21 =	simm.s32 $0x3980;
	[smem:$0x7F7] =	sst s20  }
0x67: {  	s22 =	sshrl.u32 s1, $0x1;
	s23 =	simm.s32 $0x5980;
	[smem:$0x7F8] =	sst s21  }
0x68: {  	s24 =	simm.s32 $0x3A00;
	s25 =	simm.s32 $0x5A00;
	[smem:$0x7F9] =	sst s23  }
0x69: {  	s26 =	simm.s32 $0x3A80;
	s6 =	simm.s32 $0x80;
	[smem:$0x7FB] =	sst s24  }
0x6a: {  	s7 =	simm.s32 $0x1;
	s5 =	simm.s32 $0x3000;
	[smem:$0x7FC] =	sst s25  }
0x6b: {  	s1 =	ssub.s32 s1, s22;
	[smem:$0x7FD] =	sst s26;
	s11 =	simm.s32 $0x3B00  }
0x6c: {  	s12 =	simm.s32 $0x5B00;
	s13 =	simm.s32 $0x3B80;
	s14 =	simm.s32 $0x5B80  }
0x6d: {  	s15 =	simm.s32 $0x3C00;
	s16 =	simm.s32 $0x5C00;
	s17 =	simm.s32 $0x3C80  }
0x6e: {  	s18 =	simm.s32 $0x5C80;
	s19 =	simm.s32 $0x3D00;
	s20 =	simm.s32 $0x5D00  }
0x6f: {  	s21 =	simm.s32 $0x3D80;
	s22 =	simm.s32 $0x5D80;
	s23 =	simm.s32 $0x3E00  }
0x70: {  	s24 =	simm.s32 $0x5E00;
	s25 =	simm.s32 $0x3E80;
	s26 =	simm.s32 $0x5E80  }
0x71: {  	s9 =	simm.s32 $0x4000;
	[smem:$0x7D2] =	sst s5;
	s5 =	simm.s32 $0x3580  }
0x72: {  	s10 =	simm.s32 $0x6000;
	s1 =	smax.u32 s1, $0x1;
	[smem:$0x7E8] =	sst s5  }
0x73: {  	v1 =	vlaneseq.u32;
	v0 =	vmov s0;
	[smem:$0x7FA] =	sst s1;
	s5 =	simm.s32 $0x2;
	s1 =	simm.s32 $0x0  }
.LBB2_1:
0x74: {  	v2 =	vor.u32 s3, v1  }
0x75: {  	v3 =	vadd.s32 v0, v2  }
0x76: {  	s0 =	sand.u32 $0x7E00, s3;
	v3 =	vmul.u32 $0x1C64E6D, v3  }
0x77: {  	s8 =	sand.u32 $0x70, s3;
	s0 =	sshrl.u32 s0, $0x2  }
0x78: {  	[smem:$0x7AF] =	sst s1;
	s1 =	sor.u32 s8, s0;
	v3 =	vand.u32 $0x1FFFFFF, v3  }
0x79: {  	s4 =	simm.s32 $0x10;
	s0 =	simm.s32 $0x40;
	[tilespmem:s1+$0x2080] =	vst v3;
	s1 =	simm.s32 $0x0  }
.LBB2_2:
0x7a: {  	[tilespmem:s1+$0x4080] =	vst v2;
	v2 =	vor.u32 s4, v1;
	s1 =	smov.u32 s0;
	p0 =	sne.s32 s0, $0x7FC0  }
.Ltmp0:
0x7b: {  	s0 =	sadd.s32 $0x40, s0;
	v3 =	vadd.s32 v0, v2;
	(pc) =	sbr.rel @p0 .LBB2_2-.Ltmp0, $4  }
0x7c: {  	s3 =	sand.u32 $0x7E00, s1;
	v3 =	vmul.u32 $0x1C64E6D, v3  }
0x7d: {  	s8 =	sand.u32 $0x70, s4;
	s3 =	sshrl.u32 s3, $0x2  }
0x7e: {  	s3 =	sor.u32 s8, s3;
	v3 =	vand.u32 $0x1FFFFFF, v3  }
0x7f: {  	s4 =	sadd.s32 $0x10, s4;
	s1 =	sshra.s32 s1, $0x2;
	[tilespmem:s3+$0x2080] =	vst v3  }
0x80: {  	[tilespmem:s1+$0x4080] =	vst v2;
	s0 =	simm.s32 $0x0  }
.LBB2_4:
0x81: {  	s1 =	rddreg [dreg:$0x3]  }
0x82: {  	s3 =	simm.s32 $0x0;
	s1 =	sadd.s32 s0, s1  }
0x83: {  	[tilespmem:s3], [sflag:$0x2] =	stream.linear.gather [hbm4b:s1+s3], $0x2000, $0x38;
	[tilespmem:$0x6080] =	vst v63  }
0x84: {  	_ =	swait.ge [sflag:s5], $0x2000  }
0x85: {  	s1 =	rddreg [dreg:$0x4]  }
0x86: {  	s3 =	rddreg [dreg:$0x5]  }
0x87: {  	[sflag:s5] =	ssyncset.done $0x0;
	s4 =	rddreg [dreg:$0x6]  }
0x88: {  	s8 =	rddreg [dreg:$0x7];
	[sflag:s5] =	ssyncadd.s32 $0xFFFFE000  }
0x89: {  	[hbm4b:s2+s6] =	stream.indirect.scatter [tilespmem:s3], [sflag:$0x1], $0x1, s1, s6, $0xb8;
	[tilespmem:$0x6080] =	vst v63  }
0x8a: {  	s1 =	rddreg [dreg:$0x8]  }
0x8b: {  	s3 =	rddreg [dreg:$0x9]  }
0x8c: {  	[hbm4b:s2+s6] =	stream.indirect.scatter [tilespmem:s8], [sflag:$0x1], $0x1, s4, s6, $0xb8;
	[tilespmem:$0x6080] =	vst v63  }
0x8d: {  	s4 =	rddreg [dreg:$0xa]  }
0x8e: {  	s8 =	rddreg [dreg:$0xb]  }
0x8f: {  	[hbm4b:s2+s6] =	stream.indirect.scatter [tilespmem:s3], [sflag:$0x1], $0x1, s1, s6, $0xb8;
	[tilespmem:$0x6080] =	vst v63  }
0x90: {  	s1 =	rddreg [dreg:$0xc]  }
0x91: {  	s3 =	rddreg [dreg:$0xd]  }
0x92: {  	[hbm4b:s2+s6] =	stream.indirect.scatter [tilespmem:s8], [sflag:$0x1], $0x1, s4, s6, $0xb8;
	[tilespmem:$0x6080] =	vst v63  }
0x93: {  	s4 =	rddreg [dreg:$0xe]  }
0x94: {  	s8 =	rddreg [dreg:$0xf]  }
0x95: {  	[hbm4b:s2+s6] =	stream.indirect.scatter [tilespmem:s3], [sflag:$0x1], $0x1, s1, s6, $0xb8;
	[tilespmem:$0x6080] =	vst v63  }
0x96: {  	s1 =	rddreg [dreg:$0x10]  }
0x97: {  	s3 =	rddreg [dreg:$0x11]  }
0x98: {  	[hbm4b:s2+s6] =	stream.indirect.scatter [tilespmem:s8], [sflag:$0x1], $0x1, s4, s6, $0xb8;
	[tilespmem:$0x6080] =	vst v63  }
0x99: {  	s4 =	rddreg [dreg:$0x12]  }
0x9a: {  	s8 =	rddreg [dreg:$0x13]  }
0x9b: {  	[hbm4b:s2+s6] =	stream.indirect.scatter [tilespmem:s3], [sflag:$0x1], $0x1, s1, s6, $0xb8;
	[tilespmem:$0x6080] =	vst v63  }
0x9c: {  	s1 =	rddreg [dreg:$0x14]  }
0x9d: {  	s3 =	rddreg [dreg:$0x15]  }
0x9e: {  	[hbm4b:s2+s6] =	stream.indirect.scatter [tilespmem:s8], [sflag:$0x1], $0x1, s4, s6, $0xb8;
	[tilespmem:$0x6080] =	vst v63  }
0x9f: {  	s4 =	rddreg [dreg:$0x16]  }
0xa0: {  	s8 =	rddreg [dreg:$0x17]  }
0xa1: {  	[hbm4b:s2+s6] =	stream.indirect.scatter [tilespmem:s3], [sflag:$0x1], $0x1, s1, s6, $0xb8;
	[tilespmem:$0x6080] =	vst v63  }
0xa2: {  	s1 =	rddreg [dreg:$0x18]  }
0xa3: {  	s3 =	rddreg [dreg:$0x19]  }
0xa4: {  	[hbm4b:s2+s6] =	stream.indirect.scatter [tilespmem:s8], [sflag:$0x1], $0x1, s4, s6, $0xb8;
	[tilespmem:$0x6080] =	vst v63  }
0xa5: {  	s4 =	rddreg [dreg:$0x1a]  }
0xa6: {  	s8 =	rddreg [dreg:$0x1b]  }
0xa7: {  	[hbm4b:s2+s6] =	stream.indirect.scatter [tilespmem:s3], [sflag:$0x1], $0x1, s1, s6, $0xb8;
	[tilespmem:$0x6080] =	vst v63  }
0xa8: {  	s1 =	rddreg [dreg:$0x1c]  }
0xa9: {  	s3 =	rddreg [dreg:$0x1d]  }
0xaa: {  	[hbm4b:s2+s6] =	stream.indirect.scatter [tilespmem:s8], [sflag:$0x1], $0x1, s4, s6, $0xb8;
	[tilespmem:$0x6080] =	vst v63  }
0xab: {  	s4 =	rddreg [dreg:$0x1e]  }
0xac: {  	s8 =	rddreg [dreg:$0x1f]  }
0xad: {  	[hbm4b:s2+s6] =	stream.indirect.scatter [tilespmem:s3], [sflag:$0x1], $0x1, s1, s6, $0xb8;
	[tilespmem:$0x6080] =	vst v63  }
0xae: {  	s1 =	sld [smem:$0x7B0]  }
0xaf: {  	s3 =	sld [smem:$0x7B1]  }
0xb0: {  	[hbm4b:s2+s6] =	stream.indirect.scatter [tilespmem:s8], [sflag:$0x1], $0x1, s4, s6, $0xb8;
	[tilespmem:$0x6080] =	vst v63  }
0xb1: {  	s4 =	sld [smem:$0x7B2]  }
0xb2: {  	s8 =	sld [smem:$0x7B3]  }
0xb3: {  	[hbm4b:s2+s6] =	stream.indirect.scatter [tilespmem:s3], [sflag:$0x1], $0x1, s1, s6, $0xb8;
	[tilespmem:$0x6080] =	vst v63  }
0xb4: {  	_ = 	snop  }
0xb5: {  	[hbm4b:s2+s6] =	stream.indirect.scatter [tilespmem:s8], [sflag:$0x1], $0x1, s4, s6, $0xb8;
	[tilespmem:$0x6080] =	vst v63  }
0xb6: {  	_ =	swait.ge [sflag:s7], $0x80  }
0xb7: {  	[sflag:s7] =	ssyncset.done $0x0  }
0xb8: {  	[sflag:s7] =	ssyncadd.s32 $0xFFFFFF80  }
0xb9: {  	_ =	swait.ge [sflag:s7], $0x80  }
0xba: {  	[sflag:s7] =	ssyncset.done $0x0  }
0xbb: {  	[sflag:s7] =	ssyncadd.s32 $0xFFFFFF80  }
0xbc: {  	_ =	swait.ge [sflag:s7], $0x80  }
0xbd: {  	[sflag:s7] =	ssyncset.done $0x0  }
0xbe: {  	[sflag:s7] =	ssyncadd.s32 $0xFFFFFF80  }
0xbf: {  	_ =	swait.ge [sflag:s7], $0x80  }
0xc0: {  	[sflag:s7] =	ssyncset.done $0x0  }
0xc1: {  	[sflag:s7] =	ssyncadd.s32 $0xFFFFFF80  }
0xc2: {  	_ =	swait.ge [sflag:s7], $0x80  }
0xc3: {  	[sflag:s7] =	ssyncset.done $0x0  }
0xc4: {  	[sflag:s7] =	ssyncadd.s32 $0xFFFFFF80  }
0xc5: {  	_ =	swait.ge [sflag:s7], $0x80  }
0xc6: {  	[sflag:s7] =	ssyncset.done $0x0  }
0xc7: {  	[sflag:s7] =	ssyncadd.s32 $0xFFFFFF80  }
0xc8: {  	_ =	swait.ge [sflag:s7], $0x80  }
0xc9: {  	[sflag:s7] =	ssyncset.done $0x0  }
0xca: {  	[sflag:s7] =	ssyncadd.s32 $0xFFFFFF80  }
0xcb: {  	_ =	swait.ge [sflag:s7], $0x80  }
0xcc: {  	[sflag:s7] =	ssyncset.done $0x0  }
0xcd: {  	[sflag:s7] =	ssyncadd.s32 $0xFFFFFF80  }
0xce: {  	_ =	swait.ge [sflag:s7], $0x80  }
0xcf: {  	[sflag:s7] =	ssyncset.done $0x0  }
0xd0: {  	[sflag:s7] =	ssyncadd.s32 $0xFFFFFF80  }
0xd1: {  	_ =	swait.ge [sflag:s7], $0x80  }
0xd2: {  	[sflag:s7] =	ssyncset.done $0x0  }
0xd3: {  	[sflag:s7] =	ssyncadd.s32 $0xFFFFFF80  }
0xd4: {  	_ =	swait.ge [sflag:s7], $0x80  }
0xd5: {  	[sflag:s7] =	ssyncset.done $0x0  }
0xd6: {  	[sflag:s7] =	ssyncadd.s32 $0xFFFFFF80  }
0xd7: {  	_ =	swait.ge [sflag:s7], $0x80  }
0xd8: {  	[sflag:s7] =	ssyncset.done $0x0  }
0xd9: {  	[sflag:s7] =	ssyncadd.s32 $0xFFFFFF80  }
0xda: {  	_ =	swait.ge [sflag:s7], $0x80  }
0xdb: {  	[sflag:s7] =	ssyncset.done $0x0  }
0xdc: {  	[sflag:s7] =	ssyncadd.s32 $0xFFFFFF80  }
0xdd: {  	_ =	swait.ge [sflag:s7], $0x80  }
0xde: {  	[sflag:s7] =	ssyncset.done $0x0  }
0xdf: {  	[sflag:s7] =	ssyncadd.s32 $0xFFFFFF80  }
0xe0: {  	_ =	swait.ge [sflag:s7], $0x80  }
0xe1: {  	[sflag:s7] =	ssyncset.done $0x0  }
0xe2: {  	[sflag:s7] =	ssyncadd.s32 $0xFFFFFF80  }
0xe3: {  	_ =	swait.ge [sflag:s7], $0x80  }
0xe4: {  	s1 =	sld [smem:$0x7B4]  }
0xe5: {  	s3 =	sld [smem:$0x7B5]  }
0xe6: {  	[sflag:s7] =	ssyncset.done $0x0;
	s4 =	sld [smem:$0x7B6]  }
0xe7: {  	s8 =	sld [smem:$0x7B7];
	[sflag:s7] =	ssyncadd.s32 $0xFFFFFF80  }
0xe8: {  	[hbm4b:s2+s6] =	stream.indirect.scatter [tilespmem:s3], [sflag:$0x1], $0x1, s1, s6, $0xb8;
	[tilespmem:$0x6080] =	vst v63  }
0xe9: {  	s1 =	sld [smem:$0x7B8]  }
0xea: {  	s3 =	sld [smem:$0x7B9]  }
0xeb: {  	[hbm4b:s2+s6] =	stream.indirect.scatter [tilespmem:s8], [sflag:$0x1], $0x1, s4, s6, $0xb8;
	[tilespmem:$0x6080] =	vst v63  }
0xec: {  	s4 =	sld [smem:$0x7BA]  }
0xed: {  	s8 =	sld [smem:$0x7BB]  }
0xee: {  	[hbm4b:s2+s6] =	stream.indirect.scatter [tilespmem:s3], [sflag:$0x1], $0x1, s1, s6, $0xb8;
	[tilespmem:$0x6080] =	vst v63  }
0xef: {  	s1 =	sld [smem:$0x7BC]  }
0xf0: {  	s3 =	sld [smem:$0x7BD]  }
0xf1: {  	[hbm4b:s2+s6] =	stream.indirect.scatter [tilespmem:s8], [sflag:$0x1], $0x1, s4, s6, $0xb8;
	[tilespmem:$0x6080] =	vst v63  }
0xf2: {  	s4 =	sld [smem:$0x7BE]  }
0xf3: {  	s8 =	sld [smem:$0x7BF]  }
0xf4: {  	[hbm4b:s2+s6] =	stream.indirect.scatter [tilespmem:s3], [sflag:$0x1], $0x1, s1, s6, $0xb8;
	[tilespmem:$0x6080] =	vst v63  }
0xf5: {  	s1 =	sld [smem:$0x7C0]  }
0xf6: {  	s3 =	sld [smem:$0x7C1]  }
0xf7: {  	[hbm4b:s2+s6] =	stream.indirect.scatter [tilespmem:s8], [sflag:$0x1], $0x1, s4, s6, $0xb8;
	[tilespmem:$0x6080] =	vst v63  }
0xf8: {  	s4 =	sld [smem:$0x7C2]  }
0xf9: {  	s8 =	sld [smem:$0x7C3]  }
0xfa: {  	[hbm4b:s2+s6] =	stream.indirect.scatter [tilespmem:s3], [sflag:$0x1], $0x1, s1, s6, $0xb8;
	[tilespmem:$0x6080] =	vst v63  }
0xfb: {  	s1 =	sld [smem:$0x7C4]  }
0xfc: {  	s3 =	sld [smem:$0x7C5]  }
0xfd: {  	[hbm4b:s2+s6] =	stream.indirect.scatter [tilespmem:s8], [sflag:$0x1], $0x1, s4, s6, $0xb8;
	[tilespmem:$0x6080] =	vst v63  }
0xfe: {  	s4 =	sld [smem:$0x7C6]  }
0xff: {  	s8 =	sld [smem:$0x7C7]  }
0x100: {  	[hbm4b:s2+s6] =	stream.indirect.scatter [tilespmem:s3], [sflag:$0x1], $0x1, s1, s6, $0xb8;
	[tilespmem:$0x6080] =	vst v63  }
0x101: {  	s1 =	sld [smem:$0x7C8]  }
0x102: {  	s3 =	sld [smem:$0x7C9]  }
0x103: {  	[hbm4b:s2+s6] =	stream.indirect.scatter [tilespmem:s8], [sflag:$0x1], $0x1, s4, s6, $0xb8;
	[tilespmem:$0x6080] =	vst v63  }
0x104: {  	s4 =	sld [smem:$0x7CA]  }
0x105: {  	s8 =	sld [smem:$0x7CB]  }
0x106: {  	[hbm4b:s2+s6] =	stream.indirect.scatter [tilespmem:s3], [sflag:$0x1], $0x1, s1, s6, $0xb8;
	[tilespmem:$0x6080] =	vst v63  }
0x107: {  	s1 =	sld [smem:$0x7CC]  }
0x108: {  	s3 =	sld [smem:$0x7CD]  }
0x109: {  	[hbm4b:s2+s6] =	stream.indirect.scatter [tilespmem:s8], [sflag:$0x1], $0x1, s4, s6, $0xb8;
	[tilespmem:$0x6080] =	vst v63  }
0x10a: {  	s4 =	sld [smem:$0x7CE]  }
0x10b: {  	s8 =	sld [smem:$0x7CF]  }
0x10c: {  	[hbm4b:s2+s6] =	stream.indirect.scatter [tilespmem:s3], [sflag:$0x1], $0x1, s1, s6, $0xb8;
	[tilespmem:$0x6080] =	vst v63  }
0x10d: {  	s1 =	sld [smem:$0x7D0]  }
0x10e: {  	s3 =	sld [smem:$0x7D1]  }
0x10f: {  	[hbm4b:s2+s6] =	stream.indirect.scatter [tilespmem:s8], [sflag:$0x1], $0x1, s4, s6, $0xb8;
	[tilespmem:$0x6080] =	vst v63  }
0x110: {  	s4 =	sld [smem:$0x7D2]  }
0x111: {  	s8 =	sld [smem:$0x7D3]  }
0x112: {  	[hbm4b:s2+s6] =	stream.indirect.scatter [tilespmem:s3], [sflag:$0x1], $0x1, s1, s6, $0xb8;
	[tilespmem:$0x6080] =	vst v63  }
0x113: {  	_ = 	snop  }
0x114: {  	[hbm4b:s2+s6] =	stream.indirect.scatter [tilespmem:s8], [sflag:$0x1], $0x1, s4, s6, $0xb8;
	[tilespmem:$0x6080] =	vst v63  }
0x115: {  	_ =	swait.ge [sflag:s7], $0x80  }
0x116: {  	[sflag:s7] =	ssyncset.done $0x0  }
0x117: {  	[sflag:s7] =	ssyncadd.s32 $0xFFFFFF80  }
0x118: {  	_ =	swait.ge [sflag:s7], $0x80  }
0x119: {  	[sflag:s7] =	ssyncset.done $0x0  }
0x11a: {  	[sflag:s7] =	ssyncadd.s32 $0xFFFFFF80  }
0x11b: {  	_ =	swait.ge [sflag:s7], $0x80  }
0x11c: {  	[sflag:s7] =	ssyncset.done $0x0  }
0x11d: {  	[sflag:s7] =	ssyncadd.s32 $0xFFFFFF80  }
0x11e: {  	_ =	swait.ge [sflag:s7], $0x80  }
0x11f: {  	[sflag:s7] =	ssyncset.done $0x0  }
0x120: {  	[sflag:s7] =	ssyncadd.s32 $0xFFFFFF80  }
0x121: {  	_ =	swait.ge [sflag:s7], $0x80  }
0x122: {  	[sflag:s7] =	ssyncset.done $0x0  }
0x123: {  	[sflag:s7] =	ssyncadd.s32 $0xFFFFFF80  }
0x124: {  	_ =	swait.ge [sflag:s7], $0x80  }
0x125: {  	[sflag:s7] =	ssyncset.done $0x0  }
0x126: {  	[sflag:s7] =	ssyncadd.s32 $0xFFFFFF80  }
0x127: {  	_ =	swait.ge [sflag:s7], $0x80  }
0x128: {  	[sflag:s7] =	ssyncset.done $0x0  }
0x129: {  	[sflag:s7] =	ssyncadd.s32 $0xFFFFFF80  }
0x12a: {  	_ =	swait.ge [sflag:s7], $0x80  }
0x12b: {  	[sflag:s7] =	ssyncset.done $0x0  }
0x12c: {  	[sflag:s7] =	ssyncadd.s32 $0xFFFFFF80  }
0x12d: {  	_ =	swait.ge [sflag:s7], $0x80  }
0x12e: {  	[sflag:s7] =	ssyncset.done $0x0  }
0x12f: {  	[sflag:s7] =	ssyncadd.s32 $0xFFFFFF80  }
0x130: {  	_ =	swait.ge [sflag:s7], $0x80  }
0x131: {  	[sflag:s7] =	ssyncset.done $0x0  }
0x132: {  	[sflag:s7] =	ssyncadd.s32 $0xFFFFFF80  }
0x133: {  	_ =	swait.ge [sflag:s7], $0x80  }
0x134: {  	[sflag:s7] =	ssyncset.done $0x0  }
0x135: {  	[sflag:s7] =	ssyncadd.s32 $0xFFFFFF80  }
0x136: {  	_ =	swait.ge [sflag:s7], $0x80  }
0x137: {  	[sflag:s7] =	ssyncset.done $0x0  }
0x138: {  	[sflag:s7] =	ssyncadd.s32 $0xFFFFFF80  }
0x139: {  	_ =	swait.ge [sflag:s7], $0x80  }
0x13a: {  	[sflag:s7] =	ssyncset.done $0x0  }
0x13b: {  	[sflag:s7] =	ssyncadd.s32 $0xFFFFFF80  }
0x13c: {  	_ =	swait.ge [sflag:s7], $0x80  }
0x13d: {  	[sflag:s7] =	ssyncset.done $0x0  }
0x13e: {  	[sflag:s7] =	ssyncadd.s32 $0xFFFFFF80  }
0x13f: {  	_ =	swait.ge [sflag:s7], $0x80  }
0x140: {  	[sflag:s7] =	ssyncset.done $0x0  }
0x141: {  	[sflag:s7] =	ssyncadd.s32 $0xFFFFFF80  }
0x142: {  	_ =	swait.ge [sflag:s7], $0x80  }
0x143: {  	s1 =	sld [smem:$0x7D4]  }
0x144: {  	s3 =	sld [smem:$0x7D5]  }
0x145: {  	[sflag:s7] =	ssyncset.done $0x0;
	s4 =	sld [smem:$0x7D6]  }
0x146: {  	s8 =	sld [smem:$0x7D7];
	[sflag:s7] =	ssyncadd.s32 $0xFFFFFF80  }
0x147: {  	[hbm4b:s2+s6] =	stream.indirect.scatter [tilespmem:s3], [sflag:$0x1], $0x1, s1, s6, $0xb8;
	[tilespmem:$0x6080] =	vst v63  }
0x148: {  	s1 =	sld [smem:$0x7D8]  }
0x149: {  	s3 =	sld [smem:$0x7D9]  }
0x14a: {  	[hbm4b:s2+s6] =	stream.indirect.scatter [tilespmem:s8], [sflag:$0x1], $0x1, s4, s6, $0xb8;
	[tilespmem:$0x6080] =	vst v63  }
0x14b: {  	s4 =	sld [smem:$0x7DA]  }
0x14c: {  	s8 =	sld [smem:$0x7DB]  }
0x14d: {  	[hbm4b:s2+s6] =	stream.indirect.scatter [tilespmem:s3], [sflag:$0x1], $0x1, s1, s6, $0xb8;
	[tilespmem:$0x6080] =	vst v63  }
0x14e: {  	s1 =	sld [smem:$0x7DC]  }
0x14f: {  	s3 =	sld [smem:$0x7DD]  }
0x150: {  	[hbm4b:s2+s6] =	stream.indirect.scatter [tilespmem:s8], [sflag:$0x1], $0x1, s4, s6, $0xb8;
	[tilespmem:$0x6080] =	vst v63  }
0x151: {  	s4 =	sld [smem:$0x7DE]  }
0x152: {  	s8 =	sld [smem:$0x7DF]  }
0x153: {  	[hbm4b:s2+s6] =	stream.indirect.scatter [tilespmem:s3], [sflag:$0x1], $0x1, s1, s6, $0xb8;
	[tilespmem:$0x6080] =	vst v63  }
0x154: {  	s1 =	sld [smem:$0x7E0]  }
0x155: {  	s3 =	sld [smem:$0x7E1]  }
0x156: {  	[hbm4b:s2+s6] =	stream.indirect.scatter [tilespmem:s8], [sflag:$0x1], $0x1, s4, s6, $0xb8;
	[tilespmem:$0x6080] =	vst v63  }
0x157: {  	s4 =	sld [smem:$0x7E2]  }
0x158: {  	s8 =	sld [smem:$0x7E3]  }
0x159: {  	[hbm4b:s2+s6] =	stream.indirect.scatter [tilespmem:s3], [sflag:$0x1], $0x1, s1, s6, $0xb8;
	[tilespmem:$0x6080] =	vst v63  }
0x15a: {  	s1 =	sld [smem:$0x7E4]  }
0x15b: {  	s3 =	sld [smem:$0x7E5]  }
0x15c: {  	[hbm4b:s2+s6] =	stream.indirect.scatter [tilespmem:s8], [sflag:$0x1], $0x1, s4, s6, $0xb8;
	[tilespmem:$0x6080] =	vst v63  }
0x15d: {  	s4 =	sld [smem:$0x7E6]  }
0x15e: {  	s8 =	sld [smem:$0x7E7]  }
0x15f: {  	[hbm4b:s2+s6] =	stream.indirect.scatter [tilespmem:s3], [sflag:$0x1], $0x1, s1, s6, $0xb8;
	[tilespmem:$0x6080] =	vst v63  }
0x160: {  	s1 =	sld [smem:$0x7E8]  }
0x161: {  	s3 =	sld [smem:$0x7E9]  }
0x162: {  	[hbm4b:s2+s6] =	stream.indirect.scatter [tilespmem:s8], [sflag:$0x1], $0x1, s4, s6, $0xb8;
	[tilespmem:$0x6080] =	vst v63  }
0x163: {  	s4 =	sld [smem:$0x7EA]  }
0x164: {  	s8 =	sld [smem:$0x7EB]  }
0x165: {  	[hbm4b:s2+s6] =	stream.indirect.scatter [tilespmem:s3], [sflag:$0x1], $0x1, s1, s6, $0xb8;
	[tilespmem:$0x6080] =	vst v63  }
0x166: {  	s1 =	sld [smem:$0x7EC]  }
0x167: {  	s3 =	sld [smem:$0x7ED]  }
0x168: {  	[hbm4b:s2+s6] =	stream.indirect.scatter [tilespmem:s8], [sflag:$0x1], $0x1, s4, s6, $0xb8;
	[tilespmem:$0x6080] =	vst v63  }
0x169: {  	s4 =	sld [smem:$0x7EE]  }
0x16a: {  	s8 =	sld [smem:$0x7EF]  }
0x16b: {  	[hbm4b:s2+s6] =	stream.indirect.scatter [tilespmem:s3], [sflag:$0x1], $0x1, s1, s6, $0xb8;
	[tilespmem:$0x6080] =	vst v63  }
0x16c: {  	s1 =	sld [smem:$0x7F0]  }
0x16d: {  	s3 =	sld [smem:$0x7F1]  }
0x16e: {  	[hbm4b:s2+s6] =	stream.indirect.scatter [tilespmem:s8], [sflag:$0x1], $0x1, s4, s6, $0xb8;
	[tilespmem:$0x6080] =	vst v63  }
0x16f: {  	s4 =	sld [smem:$0x7F2]  }
0x170: {  	s8 =	sld [smem:$0x7F3]  }
0x171: {  	[hbm4b:s2+s6] =	stream.indirect.scatter [tilespmem:s3], [sflag:$0x1], $0x1, s1, s6, $0xb8;
	[tilespmem:$0x6080] =	vst v63  }
0x172: {  	_ = 	snop  }
0x173: {  	[hbm4b:s2+s6] =	stream.indirect.scatter [tilespmem:s8], [sflag:$0x1], $0x1, s4, s6, $0xb8;
	[tilespmem:$0x6080] =	vst v63  }
0x174: {  	_ =	swait.ge [sflag:s7], $0x80  }
0x175: {  	[sflag:s7] =	ssyncset.done $0x0  }
0x176: {  	[sflag:s7] =	ssyncadd.s32 $0xFFFFFF80  }
0x177: {  	_ =	swait.ge [sflag:s7], $0x80  }
0x178: {  	[sflag:s7] =	ssyncset.done $0x0  }
0x179: {  	[sflag:s7] =	ssyncadd.s32 $0xFFFFFF80  }
0x17a: {  	_ =	swait.ge [sflag:s7], $0x80  }
0x17b: {  	[sflag:s7] =	ssyncset.done $0x0  }
0x17c: {  	[sflag:s7] =	ssyncadd.s32 $0xFFFFFF80  }
0x17d: {  	_ =	swait.ge [sflag:s7], $0x80  }
0x17e: {  	[sflag:s7] =	ssyncset.done $0x0  }
0x17f: {  	[sflag:s7] =	ssyncadd.s32 $0xFFFFFF80  }
0x180: {  	_ =	swait.ge [sflag:s7], $0x80  }
0x181: {  	[sflag:s7] =	ssyncset.done $0x0  }
0x182: {  	[sflag:s7] =	ssyncadd.s32 $0xFFFFFF80  }
0x183: {  	_ =	swait.ge [sflag:s7], $0x80  }
0x184: {  	[sflag:s7] =	ssyncset.done $0x0  }
0x185: {  	[sflag:s7] =	ssyncadd.s32 $0xFFFFFF80  }
0x186: {  	_ =	swait.ge [sflag:s7], $0x80  }
0x187: {  	[sflag:s7] =	ssyncset.done $0x0  }
0x188: {  	[sflag:s7] =	ssyncadd.s32 $0xFFFFFF80  }
0x189: {  	_ =	swait.ge [sflag:s7], $0x80  }
0x18a: {  	[sflag:s7] =	ssyncset.done $0x0  }
0x18b: {  	[sflag:s7] =	ssyncadd.s32 $0xFFFFFF80  }
0x18c: {  	_ =	swait.ge [sflag:s7], $0x80  }
0x18d: {  	[sflag:s7] =	ssyncset.done $0x0  }
0x18e: {  	[sflag:s7] =	ssyncadd.s32 $0xFFFFFF80  }
0x18f: {  	_ =	swait.ge [sflag:s7], $0x80  }
0x190: {  	[sflag:s7] =	ssyncset.done $0x0  }
0x191: {  	[sflag:s7] =	ssyncadd.s32 $0xFFFFFF80  }
0x192: {  	_ =	swait.ge [sflag:s7], $0x80  }
0x193: {  	[sflag:s7] =	ssyncset.done $0x0  }
0x194: {  	[sflag:s7] =	ssyncadd.s32 $0xFFFFFF80  }
0x195: {  	_ =	swait.ge [sflag:s7], $0x80  }
0x196: {  	[sflag:s7] =	ssyncset.done $0x0  }
0x197: {  	[sflag:s7] =	ssyncadd.s32 $0xFFFFFF80  }
0x198: {  	_ =	swait.ge [sflag:s7], $0x80  }
0x199: {  	[sflag:s7] =	ssyncset.done $0x0  }
0x19a: {  	[sflag:s7] =	ssyncadd.s32 $0xFFFFFF80  }
0x19b: {  	_ =	swait.ge [sflag:s7], $0x80  }
0x19c: {  	[sflag:s7] =	ssyncset.done $0x0  }
0x19d: {  	[sflag:s7] =	ssyncadd.s32 $0xFFFFFF80  }
0x19e: {  	_ =	swait.ge [sflag:s7], $0x80  }
0x19f: {  	[sflag:s7] =	ssyncset.done $0x0  }
0x1a0: {  	[sflag:s7] =	ssyncadd.s32 $0xFFFFFF80  }
0x1a1: {  	_ =	swait.ge [sflag:s7], $0x80  }
0x1a2: {  	s1 =	sld [smem:$0x7F4]  }
0x1a3: {  	s3 =	sld [smem:$0x7F5]  }
0x1a4: {  	[sflag:s7] =	ssyncset.done $0x0;
	s4 =	sld [smem:$0x7F6]  }
0x1a5: {  	s8 =	sld [smem:$0x7F7];
	[sflag:s7] =	ssyncadd.s32 $0xFFFFFF80  }
0x1a6: {  	[hbm4b:s2+s6] =	stream.indirect.scatter [tilespmem:s3], [sflag:$0x1], $0x1, s1, s6, $0xb8;
	[tilespmem:$0x6080] =	vst v63  }
0x1a7: {  	s1 =	sld [smem:$0x7F8]  }
0x1a8: {  	s3 =	sld [smem:$0x7F9]  }
0x1a9: {  	[hbm4b:s2+s6] =	stream.indirect.scatter [tilespmem:s8], [sflag:$0x1], $0x1, s4, s6, $0xb8;
	[tilespmem:$0x6080] =	vst v63  }
0x1aa: {  	s4 =	sld [smem:$0x7FB]  }
0x1ab: {  	s8 =	sld [smem:$0x7FC]  }
0x1ac: {  	[hbm4b:s2+s6] =	stream.indirect.scatter [tilespmem:s3], [sflag:$0x1], $0x1, s1, s6, $0xb8;
	[tilespmem:$0x6080] =	vst v63  }
0x1ad: {  	s3 =	sld [smem:$0x7FD]  }
0x1ae: {  	[hbm4b:s2+s6] =	stream.indirect.scatter [tilespmem:s8], [sflag:$0x1], $0x1, s4, s6, $0xb8;
	[tilespmem:$0x6080] =	vst v63  }
0x1af: {  	s8 =	simm.s32 $0x5A80  }
0x1b0: {  	[hbm4b:s2+s6] =	stream.indirect.scatter [tilespmem:s8], [sflag:$0x1], $0x1, s3, s6, $0xb8;
	[tilespmem:$0x6080] =	vst v63  }
0x1b1: {  	_ = 	snop  }
0x1b2: {  	[hbm4b:s2+s6] =	stream.indirect.scatter [tilespmem:s12], [sflag:$0x1], $0x1, s11, s6, $0xb8;
	[tilespmem:$0x6080] =	vst v63  }
0x1b3: {  	_ = 	snop  }
0x1b4: {  	[hbm4b:s2+s6] =	stream.indirect.scatter [tilespmem:s14], [sflag:$0x1], $0x1, s13, s6, $0xb8;
	[tilespmem:$0x6080] =	vst v63  }
0x1b5: {  	_ = 	snop  }
0x1b6: {  	[hbm4b:s2+s6] =	stream.indirect.scatter [tilespmem:s16], [sflag:$0x1], $0x1, s15, s6, $0xb8;
	[tilespmem:$0x6080] =	vst v63  }
0x1b7: {  	_ = 	snop  }
0x1b8: {  	[hbm4b:s2+s6] =	stream.indirect.scatter [tilespmem:s18], [sflag:$0x1], $0x1, s17, s6, $0xb8;
	[tilespmem:$0x6080] =	vst v63  }
0x1b9: {  	_ = 	snop  }
0x1ba: {  	[hbm4b:s2+s6] =	stream.indirect.scatter [tilespmem:s20], [sflag:$0x1], $0x1, s19, s6, $0xb8;
	[tilespmem:$0x6080] =	vst v63  }
0x1bb: {  	_ = 	snop  }
0x1bc: {  	[hbm4b:s2+s6] =	stream.indirect.scatter [tilespmem:s22], [sflag:$0x1], $0x1, s21, s6, $0xb8;
	[tilespmem:$0x6080] =	vst v63  }
0x1bd: {  	_ = 	snop  }
0x1be: {  	[hbm4b:s2+s6] =	stream.indirect.scatter [tilespmem:s24], [sflag:$0x1], $0x1, s23, s6, $0xb8;
	[tilespmem:$0x6080] =	vst v63  }
0x1bf: {  	_ = 	snop  }
0x1c0: {  	[hbm4b:s2+s6] =	stream.indirect.scatter [tilespmem:s26], [sflag:$0x1], $0x1, s25, s6, $0xb8;
	[tilespmem:$0x6080] =	vst v63  }
0x1c1: {  	_ = 	snop  }
0x1c2: {  	[hbm4b:s2+s6] =	stream.indirect.scatter [tilespmem:s29], [sflag:$0x1], $0x1, s28, s6, $0xb8;
	[tilespmem:$0x6080] =	vst v63  }
0x1c3: {  	_ = 	snop  }
0x1c4: {  	[hbm4b:s2+s6] =	stream.indirect.scatter [tilespmem:s31], [sflag:$0x1], $0x1, s30, s6, $0xb8;
	[tilespmem:$0x6080] =	vst v63  }
0x1c5: {  	_ = 	snop  }
0x1c6: {  	[hbm4b:s2+s6] =	stream.indirect.scatter [tilespmem:s10], [sflag:$0x1], $0x1, s9, s6, $0xb8;
	[tilespmem:$0x6080] =	vst v63  }
0x1c7: {  	_ =	swait.ge [sflag:s7], $0x80  }
0x1c8: {  	[sflag:s7] =	ssyncset.done $0x0  }
0x1c9: {  	[sflag:s7] =	ssyncadd.s32 $0xFFFFFF80  }
0x1ca: {  	_ =	swait.ge [sflag:s7], $0x80  }
0x1cb: {  	[sflag:s7] =	ssyncset.done $0x0  }
0x1cc: {  	[sflag:s7] =	ssyncadd.s32 $0xFFFFFF80  }
0x1cd: {  	_ =	swait.ge [sflag:s7], $0x80  }
0x1ce: {  	[sflag:s7] =	ssyncset.done $0x0  }
0x1cf: {  	[sflag:s7] =	ssyncadd.s32 $0xFFFFFF80  }
0x1d0: {  	_ =	swait.ge [sflag:s7], $0x80  }
0x1d1: {  	[sflag:s7] =	ssyncset.done $0x0  }
0x1d2: {  	[sflag:s7] =	ssyncadd.s32 $0xFFFFFF80  }
0x1d3: {  	_ =	swait.ge [sflag:s7], $0x80  }
0x1d4: {  	[sflag:s7] =	ssyncset.done $0x0  }
0x1d5: {  	[sflag:s7] =	ssyncadd.s32 $0xFFFFFF80  }
0x1d6: {  	_ =	swait.ge [sflag:s7], $0x80  }
0x1d7: {  	[sflag:s7] =	ssyncset.done $0x0  }
0x1d8: {  	[sflag:s7] =	ssyncadd.s32 $0xFFFFFF80  }
0x1d9: {  	_ =	swait.ge [sflag:s7], $0x80  }
0x1da: {  	[sflag:s7] =	ssyncset.done $0x0  }
0x1db: {  	[sflag:s7] =	ssyncadd.s32 $0xFFFFFF80  }
0x1dc: {  	_ =	swait.ge [sflag:s7], $0x80  }
0x1dd: {  	[sflag:s7] =	ssyncset.done $0x0  }
0x1de: {  	[sflag:s7] =	ssyncadd.s32 $0xFFFFFF80  }
0x1df: {  	_ =	swait.ge [sflag:s7], $0x80  }
0x1e0: {  	[sflag:s7] =	ssyncset.done $0x0  }
0x1e1: {  	[sflag:s7] =	ssyncadd.s32 $0xFFFFFF80  }
0x1e2: {  	_ =	swait.ge [sflag:s7], $0x80  }
0x1e3: {  	[sflag:s7] =	ssyncset.done $0x0  }
0x1e4: {  	[sflag:s7] =	ssyncadd.s32 $0xFFFFFF80  }
0x1e5: {  	_ =	swait.ge [sflag:s7], $0x80  }
0x1e6: {  	[sflag:s7] =	ssyncset.done $0x0  }
0x1e7: {  	[sflag:s7] =	ssyncadd.s32 $0xFFFFFF80  }
0x1e8: {  	_ =	swait.ge [sflag:s7], $0x80  }
0x1e9: {  	[sflag:s7] =	ssyncset.done $0x0  }
0x1ea: {  	[sflag:s7] =	ssyncadd.s32 $0xFFFFFF80  }
0x1eb: {  	_ =	swait.ge [sflag:s7], $0x80  }
0x1ec: {  	[sflag:s7] =	ssyncset.done $0x0  }
0x1ed: {  	[sflag:s7] =	ssyncadd.s32 $0xFFFFFF80  }
0x1ee: {  	_ =	swait.ge [sflag:s7], $0x80  }
0x1ef: {  	[sflag:s7] =	ssyncset.done $0x0  }
0x1f0: {  	[sflag:s7] =	ssyncadd.s32 $0xFFFFFF80  }
0x1f1: {  	p0 =	sne.s32 s0, $0xC00;
	_ =	swait.ge [sflag:s7], $0x80  }
.Ltmp1:
0x1f2: {  	[sflag:s7] =	ssyncset.done $0x0;
	(pc) =	sbr.rel @p0 .LBB2_4-.Ltmp1, $4  }
0x1f3: {  	[sflag:s7] =	ssyncadd.s32 $0xFFFFFF80  }
0x1f4: {  	_ =	swait.ge [sflag:s7], $0x80  }
0x1f5: {  	[sflag:s7] =	ssyncset.done $0x0  }
0x1f6: {  	s0 =	sadd.s32 $0x400, s0;
	[sflag:s7] =	ssyncadd.s32 $0xFFFFFF80  }
0x1f7: {  	s1 =	sld [smem:$0x7AF]  }
0x1f8: {  	s0 =	sld [smem:$0x7FA];
	_ =	sdelay $0x1  }
0x1f9: {  	s1 =	sadd.s32 $0x1, s1  }
0x1fa: {  	p0 =	sne.s32 s1, s0  }
.Ltmp2:
0x1fb: {  	_ = 	snop;
	(pc) =	sbr.rel @p0 .LBB2_1-.Ltmp2, $2  }
0x1fc: {  	_ =	sdelay $0x2  }
0x1fd: {  	s3 =	simm.s32 $0x0  }
0x1fe: {  	_ =	sfence.sel $0x180000  }
0x1ff: {  	[bflag:$0x0] =	sbarrier.arrive $0xFFFF  }
0x200: {  	_ =	strace $0x90000047  }
0x201: {  	s0 =	stileid.u32;
	[bflag:$0x2] =	sbarrier.arrive $0xFFFF  }
0x202: {  	p0 =	sne.s32 s0, $0x0;
	s0 =	rddreg [dreg:$0x2]  }
0x203: {  	s0 =	sadd.s32 @!p0 $0x100000, s0  }
0x204: {  	[sflag:s0] =	ssyncadd.tile.s32 @!p0 $0x1;
	_ =	shalt  }
.Lfunc_end2:
_tile_overlayer_lowered:
.L_overlay_start_2:
0x205: {  	(tag) =	ssettag $0x2  }
0x206: {  	s0 =	rddreg [dreg:$0x0];
	s2 =	stileid.u32  }
0x207: {  	s1 =	rddreg [dreg:$0x1];
	p0 =	sne.s32 s2, $0x0  }
0x208: {  	s3 =	rddreg [dreg:$0x2];
	[bflag:$0x3] =	sbarrier.arrive $0xFFFF;
	s2 =	simm.s32 @!p0 $0x1C02  }
0x209: {  	[timem:s3], [sflag:s2] =	dma.local @!p0 [hbm:s0], s1  }
0x20a: {  	s0 =	simm.s32 @!p0 $0x2  }
0x20b: {  	_ =	swait.ge @!p0 [sflag:s0], s1  }
0x20c: {  	s1 =	ssub.s32 @!p0 $0x0, s1;
	[sflag:s0] =	ssyncset.done @!p0 $0x0  }
0x20d: {  	[sflag:s0] =	ssyncadd.s32 @!p0 s1  }
0x20e: {  	[bflag:$0x3] =	sbarrier.arrive $0xFFFF  }
0x20f: {  	_ =	shalt  }

</sc_bundles>
